<compile_context>
chip_gen: v7x
topology: tpu7x:2x2x1
jax: 0.10.2.dev20260603
libtpu: 0.0.44.dev20260713+nightly
codegen_flags: <defaults>
</compile_context>

<pallas_src>
import jax
import jax.numpy as jnp
from jax import lax
from jax.experimental import pallas as pl
from jax.experimental.pallas import tpu as pltpu
from jax.experimental.pallas import tpu_sc as plsc

N_USERS = 65536
N_ITEMS = 65536
NNZ = 2097152
D = 64

NC = 2
NS = 16
NW = NC * NS
NB = 128
RPB = N_USERS // NB
BPW = NB // NW
E = 512
ACC_ROWS = RPB + 32
BND = 160


def _body(vals_hbm, rows_hbm, cols_hbm, w_hbm, bnd_hbm, out_hbm,
          bounds_v, cols_v, rows_v, vals_v, gbuf, acc,
          sem_g, sem_c, sem_r, sem_v):
    wid = lax.axis_index("s") * NC + lax.axis_index("c")
    pltpu.sync_copy(bnd_hbm, bounds_v)

    for j in range(BPW):
        b = wid * BPW + j
        base = b * RPB

        def zero_body(r):
            for c in range(D // 16):
                acc[r, pl.ds(c * 16, 16)] = jnp.zeros((16,), jnp.float32)

        plsc.parallel_loop(0, ACC_ROWS, 1, unroll=8)(zero_body)

        s = bounds_v[pl.ds(b, 16)][0]
        t = bounds_v[pl.ds(b + 1, 16)][0]
        k0 = s // E
        k1 = (t + E - 1) // E

        def chunk_body(k, _):
            e0 = k * E
            cp_c = pltpu.async_copy(cols_hbm.at[pl.ds(e0, E)], cols_v, sem_c)
            cp_r = pltpu.async_copy(rows_hbm.at[pl.ds(e0, E)],
                                    rows_v.at[pl.ds(0, E)], sem_r)
            cp_v = pltpu.async_copy(vals_hbm.at[pl.ds(e0, E)], vals_v, sem_v)
            cp_c.wait()
            cp_g = pltpu.async_copy(w_hbm.at[cols_v], gbuf, sem_g)
            cp_r.wait()
            cp_v.wait()
            cp_g.wait()

            def edge_body(e, _):
                r = rows_v[pl.ds(e, 16)][0]
                off = jnp.where((r >= base) & (r < base + RPB), r - base, RPB)
                val = plsc.load_gather(vals_v, [jnp.full((16,), e, jnp.int32)])
                for c in range(D // 16):
                    g = gbuf[e, pl.ds(c * 16, 16)]
                    plsc.addupdate(acc.at[off, pl.ds(c * 16, 16)], g * val)
                return _

            lax.fori_loop(0, E, edge_body, None)
            return _

        lax.fori_loop(k0, k1, chunk_body, None)
        pltpu.sync_copy(acc.at[pl.ds(0, RPB)], out_hbm.at[pl.ds(base, RPB)])


def kernel(ef_values, ef_rows, ef_cols, dense_weight_slice):
    edges = jnp.arange(0, N_USERS + 1, RPB, dtype=jnp.int32)
    bounds = jnp.searchsorted(ef_rows, edges, side="left").astype(jnp.int32)
    bnd = jnp.zeros((BND,), jnp.int32).at[: NB + 1].set(bounds)

    mesh = plsc.VectorSubcoreMesh(core_axis_name="c", subcore_axis_name="s")
    run = pl.kernel(
        _body,
        out_type=jax.ShapeDtypeStruct((N_USERS, D), jnp.float32),
        mesh=mesh,
        compiler_params=pltpu.CompilerParams(
            needs_layout_passes=False, use_tc_tiling_on_sc=False
        ),
        scratch_types=[
            pltpu.VMEM((BND,), jnp.int32),
            pltpu.VMEM((E,), jnp.int32),
            pltpu.VMEM((E + 16,), jnp.int32),
            pltpu.VMEM((E,), jnp.float32),
            pltpu.VMEM((E, D), jnp.float32),
            pltpu.VMEM((ACC_ROWS, D), jnp.float32),
            pltpu.SemaphoreType.DMA,
            pltpu.SemaphoreType.DMA,
            pltpu.SemaphoreType.DMA,
            pltpu.SemaphoreType.DMA,
        ],
    )
    return run(ef_values, ef_rows, ef_cols, dense_weight_slice, bnd)

# --- scband reference (transcript-rebuilt; emitter-appended) ---
"""Pipeline reference for scband-slim-29111288332534 (READ-ONLY COPY).

The authoritative reference and input builder live on the scoring server;
editing this copy changes nothing except your own understanding.
"""

import jax, jax.numpy as jnp
import numpy as np

N_USERS = 65536
N_ITEMS = 65536
NNZ = 2097152
SLICE = 64


def setup_inputs(seed: int = 0) -> dict:
    key = jax.random.key(seed)
    k1, k2, k3, k4 = jax.random.split(key, 4)
    # sparse explicit feedback matrix A [n_users, n_items] in COO form
    ef_values = jax.random.uniform(k1, (NNZ,), dtype=jnp.float32)
    ef_rows = jnp.sort(jax.random.randint(k2, (NNZ,), 0, N_USERS, dtype=jnp.int32))
    ef_cols = jax.random.randint(k3, (NNZ,), 0, N_ITEMS, dtype=jnp.int32)
    # dense weight slice W[:, item_ids] of shape [n_items, len(item_ids)]
    # init: abs(xavier_normal), zero at diagonal positions (item_ids assumed arange(SLICE))
    std = float(np.sqrt(2.0 / (N_ITEMS + SLICE)))
    w = jnp.abs(jax.random.normal(k4, (N_ITEMS, SLICE), dtype=jnp.float32)) * std
    diag = jnp.arange(SLICE, dtype=jnp.int32)
    w = w.at[diag, diag].set(0.0)
    return {"ef_values": ef_values, "ef_rows": ef_rows, "ef_cols": ef_cols, "dense_weight_slice": w}


def reference(ef_values, ef_rows, ef_cols, dense_weight_slice):
    # training_forward: ratings = explicit_feedback.float() @ dense_weight_slice
    # sparse (COO) @ dense, expressed as gather + scatter-add (segment_sum):
    #   ratings[r, :] += vals[e] * W[cols[e], :] for each nnz e with rows[e]==r
    gathered = jnp.take(dense_weight_slice, ef_cols, axis=0) * ef_values[:, None]
    ratings = jax.ops.segment_sum(gathered, ef_rows, num_segments=N_USERS)
    return ratings

if __name__ == "__main__":
    import jax
    _d = setup_inputs()
    print(jax.jit(kernel)(*tuple(_d.values())))

</pallas_src>

<mosaic_0001>
#map = affine_map<(d0, d1) -> (0)>
#map1 = affine_map<(d0, d1) -> (0, 0)>
module attributes {stable_mosaic.version = 14 : i64} {
  func.func @_body(%arg0: i32, %arg1: i32, %arg2: memref<2097152xf32, #tpu.memory_space<hbm>>, %arg3: memref<2097152xi32, #tpu.memory_space<hbm>>, %arg4: memref<2097152xi32, #tpu.memory_space<hbm>>, %arg5: memref<65536x64xf32, #tpu.memory_space<hbm>>, %arg6: memref<160xi32, #tpu.memory_space<hbm>>, %arg7: memref<65536x64xf32, #tpu.memory_space<hbm>>, %arg8: memref<160xi32, #tpu.memory_space<vmem>>, %arg9: memref<512xi32, #tpu.memory_space<vmem>>, %arg10: memref<528xi32, #tpu.memory_space<vmem>>, %arg11: memref<512xf32, #tpu.memory_space<vmem>>, %arg12: memref<512x64xf32, #tpu.memory_space<vmem>>, %arg13: memref<544x64xf32, #tpu.memory_space<vmem>>, %arg14: memref<!tpu.dma_semaphore, #tpu.memory_space<semaphore_mem>>, %arg15: memref<!tpu.dma_semaphore, #tpu.memory_space<semaphore_mem>>, %arg16: memref<!tpu.dma_semaphore, #tpu.memory_space<semaphore_mem>>, %arg17: memref<!tpu.dma_semaphore, #tpu.memory_space<semaphore_mem>>) attributes {dimension_semantics = [#tpu.dimension_semantics<core_parallel>, #tpu.dimension_semantics<subcore_parallel>], iteration_bounds = array<i64: 2, 16>, scalar_prefetch = 0 : i64, scratch_operands = 10 : i64, tpu.core_type = #tpu.core_type<sc_vector_subcore>, window_params = [{transform_indices = #map}, {transform_indices = #map}, {transform_indices = #map}, {transform_indices = #map1}, {transform_indices = #map}, {transform_indices = #map1}]} {
    %mul3A = arith.constant 2 : i32
    %mul3A_0 = arith.muli %arg1, %mul3A : i32
    %add3A = arith.addi %mul3A_0, %arg0 : i32
    "tpu.region"() ({
      %run_scoped3A = tpu.sem_alloc : memref<!tpu.dma_semaphore, #tpu.memory_space<semaphore_mem>>
      tpu.enqueue_dma source(%arg6 : memref<160xi32, #tpu.memory_space<hbm>>) target(%arg8 : memref<160xi32, #tpu.memory_space<vmem>>) target_semaphore(%run_scoped3A : memref<!tpu.dma_semaphore, #tpu.memory_space<semaphore_mem>>)
      tpu.wait_dma2 semaphore(%run_scoped3A : memref<!tpu.dma_semaphore, #tpu.memory_space<semaphore_mem>>) src(%arg6 : memref<160xi32, #tpu.memory_space<hbm>>) dst(%arg8 : memref<160xi32, #tpu.memory_space<vmem>>)
      tpu.yield
    }) : () -> ()
    %mul3A_1 = arith.constant 4 : i32
    %mul3A_2 = arith.muli %add3A, %mul3A_1 : i32
    %add3A_3 = arith.constant 0 : i32
    %add3A_4 = arith.addi %mul3A_2, %add3A_3 : i32
    %mul3A_5 = arith.constant 512 : i32
    %mul3A_6 = arith.muli %add3A_4, %mul3A_5 : i32
    %parallel_loop3A = arith.constant 0 : i32
    %parallel_loop3A_7 = arith.constant 544 : i32
    %parallel_loop3A_8 = arith.constant 1 : i32
    scf.for %parallel_loop3A_304 = %parallel_loop3A to %parallel_loop3A_7 step %parallel_loop3A_8  : i32 {
      %parallel_loop3A_305 = arith.constant 0.000000e+00 : f32
      %parallel_loop3A_306 = vector.broadcast %parallel_loop3A_305 : f32 to vector<16xf32>
      %parallel_loop3A_307 = arith.index_cast %parallel_loop3A_304 : i32 to index
      %parallel_loop3A_308 = arith.constant 0 : index
      %parallel_loop3A_309 = tpu.vector_load %arg13[%parallel_loop3A_307, %parallel_loop3A_308] {strides = array<i32>} : memref<544x64xf32, #tpu.memory_space<vmem>>, vector<16xf32>,
      tpu.vector_store %arg13[%parallel_loop3A_307, %parallel_loop3A_308], %parallel_loop3A_306 {strides = array<i32>} : memref<544x64xf32, #tpu.memory_space<vmem>>, vector<16xf32>,
      %parallel_loop3A_310 = arith.constant 0.000000e+00 : f32
      %parallel_loop3A_311 = vector.broadcast %parallel_loop3A_310 : f32 to vector<16xf32>
      %parallel_loop3A_312 = arith.index_cast %parallel_loop3A_304 : i32 to index
      %parallel_loop3A_313 = arith.constant 16 : index
      %parallel_loop3A_314 = tpu.vector_load %arg13[%parallel_loop3A_312, %parallel_loop3A_313] {strides = array<i32>} : memref<544x64xf32, #tpu.memory_space<vmem>>, vector<16xf32>,
      tpu.vector_store %arg13[%parallel_loop3A_312, %parallel_loop3A_313], %parallel_loop3A_311 {strides = array<i32>} : memref<544x64xf32, #tpu.memory_space<vmem>>, vector<16xf32>,
      %parallel_loop3A_315 = arith.constant 0.000000e+00 : f32
      %parallel_loop3A_316 = vector.broadcast %parallel_loop3A_315 : f32 to vector<16xf32>
      %parallel_loop3A_317 = arith.index_cast %parallel_loop3A_304 : i32 to index
      %parallel_loop3A_318 = arith.constant 32 : index
      %parallel_loop3A_319 = tpu.vector_load %arg13[%parallel_loop3A_317, %parallel_loop3A_318] {strides = array<i32>} : memref<544x64xf32, #tpu.memory_space<vmem>>, vector<16xf32>,
      tpu.vector_store %arg13[%parallel_loop3A_317, %parallel_loop3A_318], %parallel_loop3A_316 {strides = array<i32>} : memref<544x64xf32, #tpu.memory_space<vmem>>, vector<16xf32>,
      %parallel_loop3A_320 = arith.constant 0.000000e+00 : f32
      %parallel_loop3A_321 = vector.broadcast %parallel_loop3A_320 : f32 to vector<16xf32>
      %parallel_loop3A_322 = arith.index_cast %parallel_loop3A_304 : i32 to index
      %parallel_loop3A_323 = arith.constant 48 : index
      %parallel_loop3A_324 = tpu.vector_load %arg13[%parallel_loop3A_322, %parallel_loop3A_323] {strides = array<i32>} : memref<544x64xf32, #tpu.memory_space<vmem>>, vector<16xf32>,
      tpu.vector_store %arg13[%parallel_loop3A_322, %parallel_loop3A_323], %parallel_loop3A_321 {strides = array<i32>} : memref<544x64xf32, #tpu.memory_space<vmem>>, vector<16xf32>,
    } {sc.loop_unroll_factor = 8 : i64, sc.parallel_access}
    %get3A = arith.index_cast %add3A_4 : i32 to index
    %get3A_9 = tpu.vector_load %arg8[%get3A] {strides = array<i32>} : memref<160xi32, #tpu.memory_space<vmem>>, vector<16xi32>,
    %slice3A = vector.extract_strided_slice %get3A_9 {offsets = [0], sizes = [1], strides = [1]} : vector<16xi32> to vector<1xi32>
    %squeeze3A = vector.extract %slice3A[0] : i32 from vector<1xi32>
    %add3A_10 = arith.constant 1 : i32
    %add3A_11 = arith.addi %add3A_4, %add3A_10 : i32
    %get3A_12 = arith.index_cast %add3A_11 : i32 to index
    %get3A_13 = tpu.vector_load %arg8[%get3A_12] {strides = array<i32>} : memref<160xi32, #tpu.memory_space<vmem>>, vector<16xi32>,
    %slice3A_14 = vector.extract_strided_slice %get3A_13 {offsets = [0], sizes = [1], strides = [1]} : vector<16xi32> to vector<1xi32>
    %squeeze3A_15 = vector.extract %slice3A_14[0] : i32 from vector<1xi32>
    %jit3A = arith.constant 512 : i32
    %div3A = arith.divsi %squeeze3A, %jit3A : i32
    %sign3A = arith.constant 0 : i32
    %sign3A_16 = arith.cmpi sgt, %squeeze3A, %sign3A : i32
    %sign3A_17 = arith.extui %sign3A_16 : i1 to i32
    %sign3A_18 = arith.constant 0 : i32
    %sign3A_19 = arith.cmpi slt, %squeeze3A, %sign3A_18 : i32
    %sign3A_20 = arith.extui %sign3A_19 : i1 to i32
    %sign3A_21 = arith.subi %sign3A_17, %sign3A_20 : i32
    %sign3A_22 = arith.constant 0 : i32
    %sign3A_23 = arith.cmpi sgt, %jit3A, %sign3A_22 : i32
    %sign3A_24 = arith.extui %sign3A_23 : i1 to i32
    %sign3A_25 = arith.constant 0 : i32
    %sign3A_26 = arith.cmpi slt, %jit3A, %sign3A_25 : i32
    %sign3A_27 = arith.extui %sign3A_26 : i1 to i32
    %sign3A_28 = arith.subi %sign3A_24, %sign3A_27 : i32
    %ne3A = arith.cmpi ne, %sign3A_21, %sign3A_28 : i32
    %rem3A = arith.remsi %squeeze3A, %jit3A : i32
    %ne3A_29 = arith.constant 0 : i32
    %ne3A_30 = arith.cmpi ne, %rem3A, %ne3A_29 : i32
    %and3A = arith.andi %ne3A, %ne3A_30 : i1
    %sub3A = arith.constant 1 : i32
    %sub3A_31 = arith.subi %div3A, %sub3A : i32
    %select_n3A = arith.select %and3A, %sub3A_31, %div3A : i32
    %add3A_32 = arith.constant 512 : i32
    %add3A_33 = arith.addi %squeeze3A_15, %add3A_32 : i32
    %sub3A_34 = arith.constant 1 : i32
    %sub3A_35 = arith.subi %add3A_33, %sub3A_34 : i32
    %jit3A_36 = arith.constant 512 : i32
    %div3A_37 = arith.divsi %sub3A_35, %jit3A_36 : i32
    %sign3A_38 = arith.constant 0 : i32
    %sign3A_39 = arith.cmpi sgt, %sub3A_35, %sign3A_38 : i32
    %sign3A_40 = arith.extui %sign3A_39 : i1 to i32
    %sign3A_41 = arith.constant 0 : i32
    %sign3A_42 = arith.cmpi slt, %sub3A_35, %sign3A_41 : i32
    %sign3A_43 = arith.extui %sign3A_42 : i1 to i32
    %sign3A_44 = arith.subi %sign3A_40, %sign3A_43 : i32
    %sign3A_45 = arith.constant 0 : i32
    %sign3A_46 = arith.cmpi sgt, %jit3A_36, %sign3A_45 : i32
    %sign3A_47 = arith.extui %sign3A_46 : i1 to i32
    %sign3A_48 = arith.constant 0 : i32
    %sign3A_49 = arith.cmpi slt, %jit3A_36, %sign3A_48 : i32
    %sign3A_50 = arith.extui %sign3A_49 : i1 to i32
    %sign3A_51 = arith.subi %sign3A_47, %sign3A_50 : i32
    %ne3A_52 = arith.cmpi ne, %sign3A_44, %sign3A_51 : i32
    %rem3A_53 = arith.remsi %sub3A_35, %jit3A_36 : i32
    %ne3A_54 = arith.constant 0 : i32
    %ne3A_55 = arith.cmpi ne, %rem3A_53, %ne3A_54 : i32
    %and3A_56 = arith.andi %ne3A_52, %ne3A_55 : i1
    %sub3A_57 = arith.constant 1 : i32
    %sub3A_58 = arith.subi %div3A_37, %sub3A_57 : i32
    %select_n3A_59 = arith.select %and3A_56, %sub3A_58, %div3A_37 : i32
    %while3A = arith.subi %select_n3A_59, %select_n3A : i32
    %while3A_60 = arith.addi %select_n3A, %while3A : i32
    %while3A_61 = arith.constant 1 : i32
    %while3A_62 = arith.divsi %while3A, %while3A_61 : i32
    %while3A_63 = arith.muli %while3A_62, %while3A_61 : i32
    %while3A_64 = arith.addi %select_n3A, %while3A_63 : i32
    %while3A_65 = arith.constant 1 : i32
    scf.for %while3A_304 = %select_n3A to %while3A_64 step %while3A_65  : i32 {
      %mul3A_305 = arith.constant 512 : i32
      %mul3A_306 = arith.muli %while3A_304, %mul3A_305 : i32
      %dma_start3A = tpu.memref_slice %arg4[%mul3A_306] : memref<2097152xi32, #tpu.memory_space<hbm>> -> memref<512xi32, #tpu.memory_space<hbm>>
      %dma_start3A_307 = tpu.memref_slice %arg4[%mul3A_306] : memref<2097152xi32, #tpu.memory_space<hbm>> -> memref<512xi32, #tpu.memory_space<hbm>>
      tpu.enqueue_dma source(%dma_start3A_307 : memref<512xi32, #tpu.memory_space<hbm>>) target(%arg9 : memref<512xi32, #tpu.memory_space<vmem>>) target_semaphore(%arg15 : memref<!tpu.dma_semaphore, #tpu.memory_space<semaphore_mem>>)
      %dma_start3A_308 = arith.constant 0 : i32
      %dma_start3A_309 = tpu.memref_slice %arg10[%dma_start3A_308] : memref<528xi32, #tpu.memory_space<vmem>> -> memref<512xi32, #tpu.memory_space<vmem>>
      %dma_start3A_310 = tpu.memref_slice %arg3[%mul3A_306] : memref<2097152xi32, #tpu.memory_space<hbm>> -> memref<512xi32, #tpu.memory_space<hbm>>
      %dma_start3A_311 = arith.constant 0 : i32
      %dma_start3A_312 = tpu.memref_slice %arg10[%dma_start3A_311] : memref<528xi32, #tpu.memory_space<vmem>> -> memref<512xi32, #tpu.memory_space<vmem>>
      %dma_start3A_313 = tpu.memref_slice %arg3[%mul3A_306] : memref<2097152xi32, #tpu.memory_space<hbm>> -> memref<512xi32, #tpu.memory_space<hbm>>
      tpu.enqueue_dma source(%dma_start3A_313 : memref<512xi32, #tpu.memory_space<hbm>>) target(%dma_start3A_312 : memref<512xi32, #tpu.memory_space<vmem>>) target_semaphore(%arg16 : memref<!tpu.dma_semaphore, #tpu.memory_space<semaphore_mem>>)
      %dma_start3A_314 = tpu.memref_slice %arg2[%mul3A_306] : memref<2097152xf32, #tpu.memory_space<hbm>> -> memref<512xf32, #tpu.memory_space<hbm>>
      %dma_start3A_315 = tpu.memref_slice %arg2[%mul3A_306] : memref<2097152xf32, #tpu.memory_space<hbm>> -> memref<512xf32, #tpu.memory_space<hbm>>
      tpu.enqueue_dma source(%dma_start3A_315 : memref<512xf32, #tpu.memory_space<hbm>>) target(%arg11 : memref<512xf32, #tpu.memory_space<vmem>>) target_semaphore(%arg17 : memref<!tpu.dma_semaphore, #tpu.memory_space<semaphore_mem>>)
      %dma_wait3A = tpu.memref_slice %arg4[%mul3A_306] : memref<2097152xi32, #tpu.memory_space<hbm>> -> memref<512xi32, #tpu.memory_space<hbm>>
      %dma_wait3A_316 = tpu.memref_slice %arg4[%mul3A_306] : memref<2097152xi32, #tpu.memory_space<hbm>> -> memref<512xi32, #tpu.memory_space<hbm>>
      tpu.wait_dma2 semaphore(%arg15 : memref<!tpu.dma_semaphore, #tpu.memory_space<semaphore_mem>>) src(%dma_wait3A_316 : memref<512xi32, #tpu.memory_space<hbm>>) dst(%arg9 : memref<512xi32, #tpu.memory_space<vmem>>)
      %dma_start3A_317 = arith.constant 0 : i32
      %dma_start3A_318 = arith.constant 0 : i32
      %dma_start3A_319 = tpu.memref_slice %arg5[%dma_start3A_317, %dma_start3A_318] : memref<65536x64xf32, #tpu.memory_space<hbm>> -> memref<65536x64xf32, #tpu.memory_space<hbm>>
      tpu.enqueue_indirect_dma source(%dma_start3A_319 : memref<65536x64xf32, #tpu.memory_space<hbm>>) target(%arg12 : memref<512x64xf32, #tpu.memory_space<vmem>>) offsets(%arg9 : memref<512xi32, #tpu.memory_space<vmem>>) semaphore(%arg14 : memref<!tpu.dma_semaphore, #tpu.memory_space<semaphore_mem>>)
      %dma_wait3A_320 = arith.constant 0 : i32
      %dma_wait3A_321 = tpu.memref_slice %arg10[%dma_wait3A_320] : memref<528xi32, #tpu.memory_space<vmem>> -> memref<512xi32, #tpu.memory_space<vmem>>
      %dma_wait3A_322 = tpu.memref_slice %arg3[%mul3A_306] : memref<2097152xi32, #tpu.memory_space<hbm>> -> memref<512xi32, #tpu.memory_space<hbm>>
      %dma_wait3A_323 = arith.constant 0 : i32
      %dma_wait3A_324 = tpu.memref_slice %arg10[%dma_wait3A_323] : memref<528xi32, #tpu.memory_space<vmem>> -> memref<512xi32, #tpu.memory_space<vmem>>
      %dma_wait3A_325 = tpu.memref_slice %arg3[%mul3A_306] : memref<2097152xi32, #tpu.memory_space<hbm>> -> memref<512xi32, #tpu.memory_space<hbm>>
      tpu.wait_dma2 semaphore(%arg16 : memref<!tpu.dma_semaphore, #tpu.memory_space<semaphore_mem>>) src(%dma_wait3A_325 : memref<512xi32, #tpu.memory_space<hbm>>) dst(%dma_wait3A_324 : memref<512xi32, #tpu.memory_space<vmem>>)
      %dma_wait3A_326 = tpu.memref_slice %arg2[%mul3A_306] : memref<2097152xf32, #tpu.memory_space<hbm>> -> memref<512xf32, #tpu.memory_space<hbm>>
      %dma_wait3A_327 = tpu.memref_slice %arg2[%mul3A_306] : memref<2097152xf32, #tpu.memory_space<hbm>> -> memref<512xf32, #tpu.memory_space<hbm>>
      tpu.wait_dma2 semaphore(%arg17 : memref<!tpu.dma_semaphore, #tpu.memory_space<semaphore_mem>>) src(%dma_wait3A_327 : memref<512xf32, #tpu.memory_space<hbm>>) dst(%arg11 : memref<512xf32, #tpu.memory_space<vmem>>)
      %dma_wait3A_328 = arith.constant 0 : i32
      %dma_wait3A_329 = arith.constant 0 : i32
      %dma_wait3A_330 = tpu.memref_slice %arg5[%dma_wait3A_328, %dma_wait3A_329] : memref<65536x64xf32, #tpu.memory_space<hbm>> -> memref<65536x64xf32, #tpu.memory_space<hbm>>
      tpu.wait_indirect_dma semaphore(%arg14 : memref<!tpu.dma_semaphore, #tpu.memory_space<semaphore_mem>>) src(%dma_wait3A_330 : memref<65536x64xf32, #tpu.memory_space<hbm>>) dst(%arg12 : memref<512x64xf32, #tpu.memory_space<vmem>>)
      %scan3A = arith.constant 0 : i32
      %scan3A_331 = arith.constant 512 : i32
      %scan3A_332 = arith.addi %scan3A, %scan3A_331 : i32
      %scan3A_333 = arith.constant 1 : i32
      scf.for %scan3A_335 = %scan3A to %scan3A_332 step %scan3A_333  : i32 {
        %get3A_336 = arith.index_cast %scan3A_335 : i32 to index
        %get3A_337 = tpu.vector_load %arg10[%get3A_336] {strides = array<i32>} : memref<528xi32, #tpu.memory_space<vmem>>, vector<16xi32>,
        %slice3A_338 = vector.extract_strided_slice %get3A_337 {offsets = [0], sizes = [1], strides = [1]} : vector<16xi32> to vector<1xi32>
        %squeeze3A_339 = vector.extract %slice3A_338[0] : i32 from vector<1xi32>
        %ge3A = arith.cmpi sge, %squeeze3A_339, %mul3A_6 : i32
        %add3A_340 = arith.constant 512 : i32
        %add3A_341 = arith.addi %mul3A_6, %add3A_340 : i32
        %lt3A = arith.cmpi slt, %squeeze3A_339, %add3A_341 : i32
        %and3A_342 = arith.andi %ge3A, %lt3A : i1
        %sub3A_343 = arith.subi %squeeze3A_339, %mul3A_6 : i32
        %jit3A_344 = arith.constant 512 : i32
        %select_n3A_345 = arith.select %and3A_342, %sub3A_343, %jit3A_344 : i32
        %broadcast_in_dim3A = vector.broadcast %scan3A_335 : i32 to vector<16xi32>
        %gather3A = tpu.vector_load_idx %arg11[%broadcast_in_dim3A] : memref<512xf32, #tpu.memory_space<vmem>>[vector<16xi32>], vector<16xf32>,
        %get3A_346 = arith.index_cast %scan3A_335 : i32 to index
        %get3A_347 = arith.constant 0 : index
        %get3A_348 = tpu.vector_load %arg12[%get3A_346, %get3A_347] {strides = array<i32>} : memref<512x64xf32, #tpu.memory_space<vmem>>, vector<16xf32>,
        %mul3A_349 = arith.mulf %get3A_348, %gather3A : vector<16xf32>
        %swap3A = arith.index_cast %select_n3A_345 : i32 to index
        %swap3A_350 = arith.constant 0 : index
        %swap3A_351 = tpu.vector_load %arg13[%swap3A, %swap3A_350] {strides = array<i32>} : memref<544x64xf32, #tpu.memory_space<vmem>>, vector<16xf32>,
        tpu.vector_store %arg13[%swap3A, %swap3A_350], %mul3A_349 {add = true, strides = array<i32>} : memref<544x64xf32, #tpu.memory_space<vmem>>, vector<16xf32>,
        %get3A_352 = arith.index_cast %scan3A_335 : i32 to index
        %get3A_353 = arith.constant 16 : index
        %get3A_354 = tpu.vector_load %arg12[%get3A_352, %get3A_353] {strides = array<i32>} : memref<512x64xf32, #tpu.memory_space<vmem>>, vector<16xf32>,
        %mul3A_355 = arith.mulf %get3A_354, %gather3A : vector<16xf32>
        %swap3A_356 = arith.index_cast %select_n3A_345 : i32 to index
        %swap3A_357 = arith.constant 16 : index
        %swap3A_358 = tpu.vector_load %arg13[%swap3A_356, %swap3A_357] {strides = array<i32>} : memref<544x64xf32, #tpu.memory_space<vmem>>, vector<16xf32>,
        tpu.vector_store %arg13[%swap3A_356, %swap3A_357], %mul3A_355 {add = true, strides = array<i32>} : memref<544x64xf32, #tpu.memory_space<vmem>>, vector<16xf32>,
        %get3A_359 = arith.index_cast %scan3A_335 : i32 to index
        %get3A_360 = arith.constant 32 : index
        %get3A_361 = tpu.vector_load %arg12[%get3A_359, %get3A_360] {strides = array<i32>} : memref<512x64xf32, #tpu.memory_space<vmem>>, vector<16xf32>,
        %mul3A_362 = arith.mulf %get3A_361, %gather3A : vector<16xf32>
        %swap3A_363 = arith.index_cast %select_n3A_345 : i32 to index
        %swap3A_364 = arith.constant 32 : index
        %swap3A_365 = tpu.vector_load %arg13[%swap3A_363, %swap3A_364] {strides = array<i32>} : memref<544x64xf32, #tpu.memory_space<vmem>>, vector<16xf32>,
        tpu.vector_store %arg13[%swap3A_363, %swap3A_364], %mul3A_362 {add = true, strides = array<i32>} : memref<544x64xf32, #tpu.memory_space<vmem>>, vector<16xf32>,
        %get3A_366 = arith.index_cast %scan3A_335 : i32 to index
        %get3A_367 = arith.constant 48 : index
        %get3A_368 = tpu.vector_load %arg12[%get3A_366, %get3A_367] {strides = array<i32>} : memref<512x64xf32, #tpu.memory_space<vmem>>, vector<16xf32>,
        %mul3A_369 = arith.mulf %get3A_368, %gather3A : vector<16xf32>
        %swap3A_370 = arith.index_cast %select_n3A_345 : i32 to index
        %swap3A_371 = arith.constant 48 : index
        %swap3A_372 = tpu.vector_load %arg13[%swap3A_370, %swap3A_371] {strides = array<i32>} : memref<544x64xf32, #tpu.memory_space<vmem>>, vector<16xf32>,
        tpu.vector_store %arg13[%swap3A_370, %swap3A_371], %mul3A_369 {add = true, strides = array<i32>} : memref<544x64xf32, #tpu.memory_space<vmem>>, vector<16xf32>,
      }
      %scan3A_334 = arith.constant 512 : i32
    }
    %while3A_66 = arith.constant 1 : i32
    scf.for %while3A_304 = %while3A_64 to %while3A_60 step %while3A_66  : i32 {
      %mul3A_305 = arith.constant 512 : i32
      %mul3A_306 = arith.muli %while3A_304, %mul3A_305 : i32
      %dma_start3A = tpu.memref_slice %arg4[%mul3A_306] : memref<2097152xi32, #tpu.memory_space<hbm>> -> memref<512xi32, #tpu.memory_space<hbm>>
      %dma_start3A_307 = tpu.memref_slice %arg4[%mul3A_306] : memref<2097152xi32, #tpu.memory_space<hbm>> -> memref<512xi32, #tpu.memory_space<hbm>>
      tpu.enqueue_dma source(%dma_start3A_307 : memref<512xi32, #tpu.memory_space<hbm>>) target(%arg9 : memref<512xi32, #tpu.memory_space<vmem>>) target_semaphore(%arg15 : memref<!tpu.dma_semaphore, #tpu.memory_space<semaphore_mem>>)
      %dma_start3A_308 = arith.constant 0 : i32
      %dma_start3A_309 = tpu.memref_slice %arg10[%dma_start3A_308] : memref<528xi32, #tpu.memory_space<vmem>> -> memref<512xi32, #tpu.memory_space<vmem>>
      %dma_start3A_310 = tpu.memref_slice %arg3[%mul3A_306] : memref<2097152xi32, #tpu.memory_space<hbm>> -> memref<512xi32, #tpu.memory_space<hbm>>
      %dma_start3A_311 = arith.constant 0 : i32
      %dma_start3A_312 = tpu.memref_slice %arg10[%dma_start3A_311] : memref<528xi32, #tpu.memory_space<vmem>> -> memref<512xi32, #tpu.memory_space<vmem>>
      %dma_start3A_313 = tpu.memref_slice %arg3[%mul3A_306] : memref<2097152xi32, #tpu.memory_space<hbm>> -> memref<512xi32, #tpu.memory_space<hbm>>
      tpu.enqueue_dma source(%dma_start3A_313 : memref<512xi32, #tpu.memory_space<hbm>>) target(%dma_start3A_312 : memref<512xi32, #tpu.memory_space<vmem>>) target_semaphore(%arg16 : memref<!tpu.dma_semaphore, #tpu.memory_space<semaphore_mem>>)
      %dma_start3A_314 = tpu.memref_slice %arg2[%mul3A_306] : memref<2097152xf32, #tpu.memory_space<hbm>> -> memref<512xf32, #tpu.memory_space<hbm>>
      %dma_start3A_315 = tpu.memref_slice %arg2[%mul3A_306] : memref<2097152xf32, #tpu.memory_space<hbm>> -> memref<512xf32, #tpu.memory_space<hbm>>
      tpu.enqueue_dma source(%dma_start3A_315 : memref<512xf32, #tpu.memory_space<hbm>>) target(%arg11 : memref<512xf32, #tpu.memory_space<vmem>>) target_semaphore(%arg17 : memref<!tpu.dma_semaphore, #tpu.memory_space<semaphore_mem>>)
      %dma_wait3A = tpu.memref_slice %arg4[%mul3A_306] : memref<2097152xi32, #tpu.memory_space<hbm>> -> memref<512xi32, #tpu.memory_space<hbm>>
      %dma_wait3A_316 = tpu.memref_slice %arg4[%mul3A_306] : memref<2097152xi32, #tpu.memory_space<hbm>> -> memref<512xi32, #tpu.memory_space<hbm>>
      tpu.wait_dma2 semaphore(%arg15 : memref<!tpu.dma_semaphore, #tpu.memory_space<semaphore_mem>>) src(%dma_wait3A_316 : memref<512xi32, #tpu.memory_space<hbm>>) dst(%arg9 : memref<512xi32, #tpu.memory_space<vmem>>)
      %dma_start3A_317 = arith.constant 0 : i32
      %dma_start3A_318 = arith.constant 0 : i32
      %dma_start3A_319 = tpu.memref_slice %arg5[%dma_start3A_317, %dma_start3A_318] : memref<65536x64xf32, #tpu.memory_space<hbm>> -> memref<65536x64xf32, #tpu.memory_space<hbm>>
      tpu.enqueue_indirect_dma source(%dma_start3A_319 : memref<65536x64xf32, #tpu.memory_space<hbm>>) target(%arg12 : memref<512x64xf32, #tpu.memory_space<vmem>>) offsets(%arg9 : memref<512xi32, #tpu.memory_space<vmem>>) semaphore(%arg14 : memref<!tpu.dma_semaphore, #tpu.memory_space<semaphore_mem>>)
      %dma_wait3A_320 = arith.constant 0 : i32
      %dma_wait3A_321 = tpu.memref_slice %arg10[%dma_wait3A_320] : memref<528xi32, #tpu.memory_space<vmem>> -> memref<512xi32, #tpu.memory_space<vmem>>
      %dma_wait3A_322 = tpu.memref_slice %arg3[%mul3A_306] : memref<2097152xi32, #tpu.memory_space<hbm>> -> memref<512xi32, #tpu.memory_space<hbm>>
      %dma_wait3A_323 = arith.constant 0 : i32
      %dma_wait3A_324 = tpu.memref_slice %arg10[%dma_wait3A_323] : memref<528xi32, #tpu.memory_space<vmem>> -> memref<512xi32, #tpu.memory_space<vmem>>
      %dma_wait3A_325 = tpu.memref_slice %arg3[%mul3A_306] : memref<2097152xi32, #tpu.memory_space<hbm>> -> memref<512xi32, #tpu.memory_space<hbm>>
      tpu.wait_dma2 semaphore(%arg16 : memref<!tpu.dma_semaphore, #tpu.memory_space<semaphore_mem>>) src(%dma_wait3A_325 : memref<512xi32, #tpu.memory_space<hbm>>) dst(%dma_wait3A_324 : memref<512xi32, #tpu.memory_space<vmem>>)
      %dma_wait3A_326 = tpu.memref_slice %arg2[%mul3A_306] : memref<2097152xf32, #tpu.memory_space<hbm>> -> memref<512xf32, #tpu.memory_space<hbm>>
      %dma_wait3A_327 = tpu.memref_slice %arg2[%mul3A_306] : memref<2097152xf32, #tpu.memory_space<hbm>> -> memref<512xf32, #tpu.memory_space<hbm>>
      tpu.wait_dma2 semaphore(%arg17 : memref<!tpu.dma_semaphore, #tpu.memory_space<semaphore_mem>>) src(%dma_wait3A_327 : memref<512xf32, #tpu.memory_space<hbm>>) dst(%arg11 : memref<512xf32, #tpu.memory_space<vmem>>)
      %dma_wait3A_328 = arith.constant 0 : i32
      %dma_wait3A_329 = arith.constant 0 : i32
      %dma_wait3A_330 = tpu.memref_slice %arg5[%dma_wait3A_328, %dma_wait3A_329] : memref<65536x64xf32, #tpu.memory_space<hbm>> -> memref<65536x64xf32, #tpu.memory_space<hbm>>
      tpu.wait_indirect_dma semaphore(%arg14 : memref<!tpu.dma_semaphore, #tpu.memory_space<semaphore_mem>>) src(%dma_wait3A_330 : memref<65536x64xf32, #tpu.memory_space<hbm>>) dst(%arg12 : memref<512x64xf32, #tpu.memory_space<vmem>>)
      %scan3A = arith.constant 0 : i32
      %scan3A_331 = arith.constant 512 : i32
      %scan3A_332 = arith.addi %scan3A, %scan3A_331 : i32
      %scan3A_333 = arith.constant 1 : i32
      scf.for %scan3A_335 = %scan3A to %scan3A_332 step %scan3A_333  : i32 {
        %get3A_336 = arith.index_cast %scan3A_335 : i32 to index
        %get3A_337 = tpu.vector_load %arg10[%get3A_336] {strides = array<i32>} : memref<528xi32, #tpu.memory_space<vmem>>, vector<16xi32>,
        %slice3A_338 = vector.extract_strided_slice %get3A_337 {offsets = [0], sizes = [1], strides = [1]} : vector<16xi32> to vector<1xi32>
        %squeeze3A_339 = vector.extract %slice3A_338[0] : i32 from vector<1xi32>
        %ge3A = arith.cmpi sge, %squeeze3A_339, %mul3A_6 : i32
        %add3A_340 = arith.constant 512 : i32
        %add3A_341 = arith.addi %mul3A_6, %add3A_340 : i32
        %lt3A = arith.cmpi slt, %squeeze3A_339, %add3A_341 : i32
        %and3A_342 = arith.andi %ge3A, %lt3A : i1
        %sub3A_343 = arith.subi %squeeze3A_339, %mul3A_6 : i32
        %jit3A_344 = arith.constant 512 : i32
        %select_n3A_345 = arith.select %and3A_342, %sub3A_343, %jit3A_344 : i32
        %broadcast_in_dim3A = vector.broadcast %scan3A_335 : i32 to vector<16xi32>
        %gather3A = tpu.vector_load_idx %arg11[%broadcast_in_dim3A] : memref<512xf32, #tpu.memory_space<vmem>>[vector<16xi32>], vector<16xf32>,
        %get3A_346 = arith.index_cast %scan3A_335 : i32 to index
        %get3A_347 = arith.constant 0 : index
        %get3A_348 = tpu.vector_load %arg12[%get3A_346, %get3A_347] {strides = array<i32>} : memref<512x64xf32, #tpu.memory_space<vmem>>, vector<16xf32>,
        %mul3A_349 = arith.mulf %get3A_348, %gather3A : vector<16xf32>
        %swap3A = arith.index_cast %select_n3A_345 : i32 to index
        %swap3A_350 = arith.constant 0 : index
        %swap3A_351 = tpu.vector_load %arg13[%swap3A, %swap3A_350] {strides = array<i32>} : memref<544x64xf32, #tpu.memory_space<vmem>>, vector<16xf32>,
        tpu.vector_store %arg13[%swap3A, %swap3A_350], %mul3A_349 {add = true, strides = array<i32>} : memref<544x64xf32, #tpu.memory_space<vmem>>, vector<16xf32>,
        %get3A_352 = arith.index_cast %scan3A_335 : i32 to index
        %get3A_353 = arith.constant 16 : index
        %get3A_354 = tpu.vector_load %arg12[%get3A_352, %get3A_353] {strides = array<i32>} : memref<512x64xf32, #tpu.memory_space<vmem>>, vector<16xf32>,
        %mul3A_355 = arith.mulf %get3A_354, %gather3A : vector<16xf32>
        %swap3A_356 = arith.index_cast %select_n3A_345 : i32 to index
        %swap3A_357 = arith.constant 16 : index
        %swap3A_358 = tpu.vector_load %arg13[%swap3A_356, %swap3A_357] {strides = array<i32>} : memref<544x64xf32, #tpu.memory_space<vmem>>, vector<16xf32>,
        tpu.vector_store %arg13[%swap3A_356, %swap3A_357], %mul3A_355 {add = true, strides = array<i32>} : memref<544x64xf32, #tpu.memory_space<vmem>>, vector<16xf32>,
        %get3A_359 = arith.index_cast %scan3A_335 : i32 to index
        %get3A_360 = arith.constant 32 : index
        %get3A_361 = tpu.vector_load %arg12[%get3A_359, %get3A_360] {strides = array<i32>} : memref<512x64xf32, #tpu.memory_space<vmem>>, vector<16xf32>,
        %mul3A_362 = arith.mulf %get3A_361, %gather3A : vector<16xf32>
        %swap3A_363 = arith.index_cast %select_n3A_345 : i32 to index
        %swap3A_364 = arith.constant 32 : index
        %swap3A_365 = tpu.vector_load %arg13[%swap3A_363, %swap3A_364] {strides = array<i32>} : memref<544x64xf32, #tpu.memory_space<vmem>>, vector<16xf32>,
        tpu.vector_store %arg13[%swap3A_363, %swap3A_364], %mul3A_362 {add = true, strides = array<i32>} : memref<544x64xf32, #tpu.memory_space<vmem>>, vector<16xf32>,
        %get3A_366 = arith.index_cast %scan3A_335 : i32 to index
        %get3A_367 = arith.constant 48 : index
        %get3A_368 = tpu.vector_load %arg12[%get3A_366, %get3A_367] {strides = array<i32>} : memref<512x64xf32, #tpu.memory_space<vmem>>, vector<16xf32>,
        %mul3A_369 = arith.mulf %get3A_368, %gather3A : vector<16xf32>
        %swap3A_370 = arith.index_cast %select_n3A_345 : i32 to index
        %swap3A_371 = arith.constant 48 : index
        %swap3A_372 = tpu.vector_load %arg13[%swap3A_370, %swap3A_371] {strides = array<i32>} : memref<544x64xf32, #tpu.memory_space<vmem>>, vector<16xf32>,
        tpu.vector_store %arg13[%swap3A_370, %swap3A_371], %mul3A_369 {add = true, strides = array<i32>} : memref<544x64xf32, #tpu.memory_space<vmem>>, vector<16xf32>,
      }
      %scan3A_334 = arith.constant 512 : i32
    }
    "tpu.region"() ({
      %run_scoped3A = tpu.sem_alloc : memref<!tpu.dma_semaphore, #tpu.memory_space<semaphore_mem>>
      %dma_start3A = arith.constant 0 : i32
      %dma_start3A_304 = arith.constant 0 : i32
      %dma_start3A_305 = tpu.memref_slice %arg13[%dma_start3A, %dma_start3A_304] : memref<544x64xf32, #tpu.memory_space<vmem>> -> memref<512x64xf32, #tpu.memory_space<vmem>>
      %dma_start3A_306 = arith.constant 0 : i32
      %dma_start3A_307 = tpu.memref_slice %arg7[%mul3A_6, %dma_start3A_306] : memref<65536x64xf32, #tpu.memory_space<hbm>> -> memref<512x64xf32, #tpu.memory_space<hbm>>
      %dma_start3A_308 = arith.constant 0 : i32
      %dma_start3A_309 = tpu.memref_slice %arg7[%mul3A_6, %dma_start3A_308] : memref<65536x64xf32, #tpu.memory_space<hbm>> -> memref<512x64xf32, #tpu.memory_space<hbm>>
      %dma_start3A_310 = arith.constant 0 : i32
      %dma_start3A_311 = arith.constant 0 : i32
      %dma_start3A_312 = tpu.memref_slice %arg13[%dma_start3A_310, %dma_start3A_311] : memref<544x64xf32, #tpu.memory_space<vmem>> -> memref<512x64xf32, #tpu.memory_space<vmem>>
      tpu.enqueue_dma source(%dma_start3A_312 : memref<512x64xf32, #tpu.memory_space<vmem>>) target(%dma_start3A_309 : memref<512x64xf32, #tpu.memory_space<hbm>>) target_semaphore(%run_scoped3A : memref<!tpu.dma_semaphore, #tpu.memory_space<semaphore_mem>>)
      %dma_wait3A = arith.constant 0 : i32
      %dma_wait3A_313 = arith.constant 0 : i32
      %dma_wait3A_314 = tpu.memref_slice %arg13[%dma_wait3A, %dma_wait3A_313] : memref<544x64xf32, #tpu.memory_space<vmem>> -> memref<512x64xf32, #tpu.memory_space<vmem>>
      %dma_wait3A_315 = arith.constant 0 : i32
      %dma_wait3A_316 = tpu.memref_slice %arg7[%mul3A_6, %dma_wait3A_315] : memref<65536x64xf32, #tpu.memory_space<hbm>> -> memref<512x64xf32, #tpu.memory_space<hbm>>
      %dma_wait3A_317 = arith.constant 0 : i32
      %dma_wait3A_318 = tpu.memref_slice %arg7[%mul3A_6, %dma_wait3A_317] : memref<65536x64xf32, #tpu.memory_space<hbm>> -> memref<512x64xf32, #tpu.memory_space<hbm>>
      %dma_wait3A_319 = arith.constant 0 : i32
      %dma_wait3A_320 = arith.constant 0 : i32
      %dma_wait3A_321 = tpu.memref_slice %arg13[%dma_wait3A_319, %dma_wait3A_320] : memref<544x64xf32, #tpu.memory_space<vmem>> -> memref<512x64xf32, #tpu.memory_space<vmem>>
      tpu.wait_dma2 semaphore(%run_scoped3A : memref<!tpu.dma_semaphore, #tpu.memory_space<semaphore_mem>>) src(%dma_wait3A_321 : memref<512x64xf32, #tpu.memory_space<vmem>>) dst(%dma_wait3A_318 : memref<512x64xf32, #tpu.memory_space<hbm>>)
      tpu.yield
    }) : () -> ()
    %mul3A_67 = arith.constant 4 : i32
    %mul3A_68 = arith.muli %add3A, %mul3A_67 : i32
    %add3A_69 = arith.constant 1 : i32
    %add3A_70 = arith.addi %mul3A_68, %add3A_69 : i32
    %mul3A_71 = arith.constant 512 : i32
    %mul3A_72 = arith.muli %add3A_70, %mul3A_71 : i32
    %parallel_loop3A_73 = arith.constant 0 : i32
    %parallel_loop3A_74 = arith.constant 544 : i32
    %parallel_loop3A_75 = arith.constant 1 : i32
    scf.for %parallel_loop3A_304 = %parallel_loop3A_73 to %parallel_loop3A_74 step %parallel_loop3A_75  : i32 {
      %parallel_loop3A_305 = arith.constant 0.000000e+00 : f32
      %parallel_loop3A_306 = vector.broadcast %parallel_loop3A_305 : f32 to vector<16xf32>
      %parallel_loop3A_307 = arith.index_cast %parallel_loop3A_304 : i32 to index
      %parallel_loop3A_308 = arith.constant 0 : index
      %parallel_loop3A_309 = tpu.vector_load %arg13[%parallel_loop3A_307, %parallel_loop3A_308] {strides = array<i32>} : memref<544x64xf32, #tpu.memory_space<vmem>>, vector<16xf32>,
      tpu.vector_store %arg13[%parallel_loop3A_307, %parallel_loop3A_308], %parallel_loop3A_306 {strides = array<i32>} : memref<544x64xf32, #tpu.memory_space<vmem>>, vector<16xf32>,
      %parallel_loop3A_310 = arith.constant 0.000000e+00 : f32
      %parallel_loop3A_311 = vector.broadcast %parallel_loop3A_310 : f32 to vector<16xf32>
      %parallel_loop3A_312 = arith.index_cast %parallel_loop3A_304 : i32 to index
      %parallel_loop3A_313 = arith.constant 16 : index
      %parallel_loop3A_314 = tpu.vector_load %arg13[%parallel_loop3A_312, %parallel_loop3A_313] {strides = array<i32>} : memref<544x64xf32, #tpu.memory_space<vmem>>, vector<16xf32>,
      tpu.vector_store %arg13[%parallel_loop3A_312, %parallel_loop3A_313], %parallel_loop3A_311 {strides = array<i32>} : memref<544x64xf32, #tpu.memory_space<vmem>>, vector<16xf32>,
      %parallel_loop3A_315 = arith.constant 0.000000e+00 : f32
      %parallel_loop3A_316 = vector.broadcast %parallel_loop3A_315 : f32 to vector<16xf32>
      %parallel_loop3A_317 = arith.index_cast %parallel_loop3A_304 : i32 to index
      %parallel_loop3A_318 = arith.constant 32 : index
      %parallel_loop3A_319 = tpu.vector_load %arg13[%parallel_loop3A_317, %parallel_loop3A_318] {strides = array<i32>} : memref<544x64xf32, #tpu.memory_space<vmem>>, vector<16xf32>,
      tpu.vector_store %arg13[%parallel_loop3A_317, %parallel_loop3A_318], %parallel_loop3A_316 {strides = array<i32>} : memref<544x64xf32, #tpu.memory_space<vmem>>, vector<16xf32>,
      %parallel_loop3A_320 = arith.constant 0.000000e+00 : f32
      %parallel_loop3A_321 = vector.broadcast %parallel_loop3A_320 : f32 to vector<16xf32>
      %parallel_loop3A_322 = arith.index_cast %parallel_loop3A_304 : i32 to index
      %parallel_loop3A_323 = arith.constant 48 : index
      %parallel_loop3A_324 = tpu.vector_load %arg13[%parallel_loop3A_322, %parallel_loop3A_323] {strides = array<i32>} : memref<544x64xf32, #tpu.memory_space<vmem>>, vector<16xf32>,
      tpu.vector_store %arg13[%parallel_loop3A_322, %parallel_loop3A_323], %parallel_loop3A_321 {strides = array<i32>} : memref<544x64xf32, #tpu.memory_space<vmem>>, vector<16xf32>,
    } {sc.loop_unroll_factor = 8 : i64, sc.parallel_access}
    %get3A_76 = arith.index_cast %add3A_70 : i32 to index
    %get3A_77 = tpu.vector_load %arg8[%get3A_76] {strides = array<i32>} : memref<160xi32, #tpu.memory_space<vmem>>, vector<16xi32>,
    %slice3A_78 = vector.extract_strided_slice %get3A_77 {offsets = [0], sizes = [1], strides = [1]} : vector<16xi32> to vector<1xi32>
    %squeeze3A_79 = vector.extract %slice3A_78[0] : i32 from vector<1xi32>
    %add3A_80 = arith.constant 1 : i32
    %add3A_81 = arith.addi %add3A_70, %add3A_80 : i32
    %get3A_82 = arith.index_cast %add3A_81 : i32 to index
    %get3A_83 = tpu.vector_load %arg8[%get3A_82] {strides = array<i32>} : memref<160xi32, #tpu.memory_space<vmem>>, vector<16xi32>,
    %slice3A_84 = vector.extract_strided_slice %get3A_83 {offsets = [0], sizes = [1], strides = [1]} : vector<16xi32> to vector<1xi32>
    %squeeze3A_85 = vector.extract %slice3A_84[0] : i32 from vector<1xi32>
    %jit3A_86 = arith.constant 512 : i32
    %div3A_87 = arith.divsi %squeeze3A_79, %jit3A_86 : i32
    %sign3A_88 = arith.constant 0 : i32
    %sign3A_89 = arith.cmpi sgt, %squeeze3A_79, %sign3A_88 : i32
    %sign3A_90 = arith.extui %sign3A_89 : i1 to i32
    %sign3A_91 = arith.constant 0 : i32
    %sign3A_92 = arith.cmpi slt, %squeeze3A_79, %sign3A_91 : i32
    %sign3A_93 = arith.extui %sign3A_92 : i1 to i32
    %sign3A_94 = arith.subi %sign3A_90, %sign3A_93 : i32
    %sign3A_95 = arith.constant 0 : i32
    %sign3A_96 = arith.cmpi sgt, %jit3A_86, %sign3A_95 : i32
    %sign3A_97 = arith.extui %sign3A_96 : i1 to i32
    %sign3A_98 = arith.constant 0 : i32
    %sign3A_99 = arith.cmpi slt, %jit3A_86, %sign3A_98 : i32
    %sign3A_100 = arith.extui %sign3A_99 : i1 to i32
    %sign3A_101 = arith.subi %sign3A_97, %sign3A_100 : i32
    %ne3A_102 = arith.cmpi ne, %sign3A_94, %sign3A_101 : i32
    %rem3A_103 = arith.remsi %squeeze3A_79, %jit3A_86 : i32
    %ne3A_104 = arith.constant 0 : i32
    %ne3A_105 = arith.cmpi ne, %rem3A_103, %ne3A_104 : i32
    %and3A_106 = arith.andi %ne3A_102, %ne3A_105 : i1
    %sub3A_107 = arith.constant 1 : i32
    %sub3A_108 = arith.subi %div3A_87, %sub3A_107 : i32
    %select_n3A_109 = arith.select %and3A_106, %sub3A_108, %div3A_87 : i32
    %add3A_110 = arith.constant 512 : i32
    %add3A_111 = arith.addi %squeeze3A_85, %add3A_110 : i32
    %sub3A_112 = arith.constant 1 : i32
    %sub3A_113 = arith.subi %add3A_111, %sub3A_112 : i32
    %jit3A_114 = arith.constant 512 : i32
    %div3A_115 = arith.divsi %sub3A_113, %jit3A_114 : i32
    %sign3A_116 = arith.constant 0 : i32
    %sign3A_117 = arith.cmpi sgt, %sub3A_113, %sign3A_116 : i32
    %sign3A_118 = arith.extui %sign3A_117 : i1 to i32
    %sign3A_119 = arith.constant 0 : i32
    %sign3A_120 = arith.cmpi slt, %sub3A_113, %sign3A_119 : i32
    %sign3A_121 = arith.extui %sign3A_120 : i1 to i32
    %sign3A_122 = arith.subi %sign3A_118, %sign3A_121 : i32
    %sign3A_123 = arith.constant 0 : i32
    %sign3A_124 = arith.cmpi sgt, %jit3A_114, %sign3A_123 : i32
    %sign3A_125 = arith.extui %sign3A_124 : i1 to i32
    %sign3A_126 = arith.constant 0 : i32
    %sign3A_127 = arith.cmpi slt, %jit3A_114, %sign3A_126 : i32
    %sign3A_128 = arith.extui %sign3A_127 : i1 to i32
    %sign3A_129 = arith.subi %sign3A_125, %sign3A_128 : i32
    %ne3A_130 = arith.cmpi ne, %sign3A_122, %sign3A_129 : i32
    %rem3A_131 = arith.remsi %sub3A_113, %jit3A_114 : i32
    %ne3A_132 = arith.constant 0 : i32
    %ne3A_133 = arith.cmpi ne, %rem3A_131, %ne3A_132 : i32
    %and3A_134 = arith.andi %ne3A_130, %ne3A_133 : i1
    %sub3A_135 = arith.constant 1 : i32
    %sub3A_136 = arith.subi %div3A_115, %sub3A_135 : i32
    %select_n3A_137 = arith.select %and3A_134, %sub3A_136, %div3A_115 : i32
    %while3A_138 = arith.subi %select_n3A_137, %select_n3A_109 : i32
    %while3A_139 = arith.addi %select_n3A_109, %while3A_138 : i32
    %while3A_140 = arith.constant 1 : i32
    %while3A_141 = arith.divsi %while3A_138, %while3A_140 : i32
    %while3A_142 = arith.muli %while3A_141, %while3A_140 : i32
    %while3A_143 = arith.addi %select_n3A_109, %while3A_142 : i32
    %while3A_144 = arith.constant 1 : i32
    scf.for %while3A_304 = %select_n3A_109 to %while3A_143 step %while3A_144  : i32 {
      %mul3A_305 = arith.constant 512 : i32
      %mul3A_306 = arith.muli %while3A_304, %mul3A_305 : i32
      %dma_start3A = tpu.memref_slice %arg4[%mul3A_306] : memref<2097152xi32, #tpu.memory_space<hbm>> -> memref<512xi32, #tpu.memory_space<hbm>>
      %dma_start3A_307 = tpu.memref_slice %arg4[%mul3A_306] : memref<2097152xi32, #tpu.memory_space<hbm>> -> memref<512xi32, #tpu.memory_space<hbm>>
      tpu.enqueue_dma source(%dma_start3A_307 : memref<512xi32, #tpu.memory_space<hbm>>) target(%arg9 : memref<512xi32, #tpu.memory_space<vmem>>) target_semaphore(%arg15 : memref<!tpu.dma_semaphore, #tpu.memory_space<semaphore_mem>>)
      %dma_start3A_308 = arith.constant 0 : i32
      %dma_start3A_309 = tpu.memref_slice %arg10[%dma_start3A_308] : memref<528xi32, #tpu.memory_space<vmem>> -> memref<512xi32, #tpu.memory_space<vmem>>
      %dma_start3A_310 = tpu.memref_slice %arg3[%mul3A_306] : memref<2097152xi32, #tpu.memory_space<hbm>> -> memref<512xi32, #tpu.memory_space<hbm>>
      %dma_start3A_311 = arith.constant 0 : i32
      %dma_start3A_312 = tpu.memref_slice %arg10[%dma_start3A_311] : memref<528xi32, #tpu.memory_space<vmem>> -> memref<512xi32, #tpu.memory_space<vmem>>
      %dma_start3A_313 = tpu.memref_slice %arg3[%mul3A_306] : memref<2097152xi32, #tpu.memory_space<hbm>> -> memref<512xi32, #tpu.memory_space<hbm>>
      tpu.enqueue_dma source(%dma_start3A_313 : memref<512xi32, #tpu.memory_space<hbm>>) target(%dma_start3A_312 : memref<512xi32, #tpu.memory_space<vmem>>) target_semaphore(%arg16 : memref<!tpu.dma_semaphore, #tpu.memory_space<semaphore_mem>>)
      %dma_start3A_314 = tpu.memref_slice %arg2[%mul3A_306] : memref<2097152xf32, #tpu.memory_space<hbm>> -> memref<512xf32, #tpu.memory_space<hbm>>
      %dma_start3A_315 = tpu.memref_slice %arg2[%mul3A_306] : memref<2097152xf32, #tpu.memory_space<hbm>> -> memref<512xf32, #tpu.memory_space<hbm>>
      tpu.enqueue_dma source(%dma_start3A_315 : memref<512xf32, #tpu.memory_space<hbm>>) target(%arg11 : memref<512xf32, #tpu.memory_space<vmem>>) target_semaphore(%arg17 : memref<!tpu.dma_semaphore, #tpu.memory_space<semaphore_mem>>)
      %dma_wait3A = tpu.memref_slice %arg4[%mul3A_306] : memref<2097152xi32, #tpu.memory_space<hbm>> -> memref<512xi32, #tpu.memory_space<hbm>>
      %dma_wait3A_316 = tpu.memref_slice %arg4[%mul3A_306] : memref<2097152xi32, #tpu.memory_space<hbm>> -> memref<512xi32, #tpu.memory_space<hbm>>
      tpu.wait_dma2 semaphore(%arg15 : memref<!tpu.dma_semaphore, #tpu.memory_space<semaphore_mem>>) src(%dma_wait3A_316 : memref<512xi32, #tpu.memory_space<hbm>>) dst(%arg9 : memref<512xi32, #tpu.memory_space<vmem>>)
      %dma_start3A_317 = arith.constant 0 : i32
      %dma_start3A_318 = arith.constant 0 : i32
      %dma_start3A_319 = tpu.memref_slice %arg5[%dma_start3A_317, %dma_start3A_318] : memref<65536x64xf32, #tpu.memory_space<hbm>> -> memref<65536x64xf32, #tpu.memory_space<hbm>>
      tpu.enqueue_indirect_dma source(%dma_start3A_319 : memref<65536x64xf32, #tpu.memory_space<hbm>>) target(%arg12 : memref<512x64xf32, #tpu.memory_space<vmem>>) offsets(%arg9 : memref<512xi32, #tpu.memory_space<vmem>>) semaphore(%arg14 : memref<!tpu.dma_semaphore, #tpu.memory_space<semaphore_mem>>)
      %dma_wait3A_320 = arith.constant 0 : i32
      %dma_wait3A_321 = tpu.memref_slice %arg10[%dma_wait3A_320] : memref<528xi32, #tpu.memory_space<vmem>> -> memref<512xi32, #tpu.memory_space<vmem>>
      %dma_wait3A_322 = tpu.memref_slice %arg3[%mul3A_306] : memref<2097152xi32, #tpu.memory_space<hbm>> -> memref<512xi32, #tpu.memory_space<hbm>>
      %dma_wait3A_323 = arith.constant 0 : i32
      %dma_wait3A_324 = tpu.memref_slice %arg10[%dma_wait3A_323] : memref<528xi32, #tpu.memory_space<vmem>> -> memref<512xi32, #tpu.memory_space<vmem>>
      %dma_wait3A_325 = tpu.memref_slice %arg3[%mul3A_306] : memref<2097152xi32, #tpu.memory_space<hbm>> -> memref<512xi32, #tpu.memory_space<hbm>>
      tpu.wait_dma2 semaphore(%arg16 : memref<!tpu.dma_semaphore, #tpu.memory_space<semaphore_mem>>) src(%dma_wait3A_325 : memref<512xi32, #tpu.memory_space<hbm>>) dst(%dma_wait3A_324 : memref<512xi32, #tpu.memory_space<vmem>>)
      %dma_wait3A_326 = tpu.memref_slice %arg2[%mul3A_306] : memref<2097152xf32, #tpu.memory_space<hbm>> -> memref<512xf32, #tpu.memory_space<hbm>>
      %dma_wait3A_327 = tpu.memref_slice %arg2[%mul3A_306] : memref<2097152xf32, #tpu.memory_space<hbm>> -> memref<512xf32, #tpu.memory_space<hbm>>
      tpu.wait_dma2 semaphore(%arg17 : memref<!tpu.dma_semaphore, #tpu.memory_space<semaphore_mem>>) src(%dma_wait3A_327 : memref<512xf32, #tpu.memory_space<hbm>>) dst(%arg11 : memref<512xf32, #tpu.memory_space<vmem>>)
      %dma_wait3A_328 = arith.constant 0 : i32
      %dma_wait3A_329 = arith.constant 0 : i32
      %dma_wait3A_330 = tpu.memref_slice %arg5[%dma_wait3A_328, %dma_wait3A_329] : memref<65536x64xf32, #tpu.memory_space<hbm>> -> memref<65536x64xf32, #tpu.memory_space<hbm>>
      tpu.wait_indirect_dma semaphore(%arg14 : memref<!tpu.dma_semaphore, #tpu.memory_space<semaphore_mem>>) src(%dma_wait3A_330 : memref<65536x64xf32, #tpu.memory_space<hbm>>) dst(%arg12 : memref<512x64xf32, #tpu.memory_space<vmem>>)
      %scan3A = arith.constant 0 : i32
      %scan3A_331 = arith.constant 512 : i32
      %scan3A_332 = arith.addi %scan3A, %scan3A_331 : i32
      %scan3A_333 = arith.constant 1 : i32
      scf.for %scan3A_335 = %scan3A to %scan3A_332 step %scan3A_333  : i32 {
        %get3A_336 = arith.index_cast %scan3A_335 : i32 to index
        %get3A_337 = tpu.vector_load %arg10[%get3A_336] {strides = array<i32>} : memref<528xi32, #tpu.memory_space<vmem>>, vector<16xi32>,
        %slice3A_338 = vector.extract_strided_slice %get3A_337 {offsets = [0], sizes = [1], strides = [1]} : vector<16xi32> to vector<1xi32>
        %squeeze3A_339 = vector.extract %slice3A_338[0] : i32 from vector<1xi32>
        %ge3A = arith.cmpi sge, %squeeze3A_339, %mul3A_72 : i32
        %add3A_340 = arith.constant 512 : i32
        %add3A_341 = arith.addi %mul3A_72, %add3A_340 : i32
        %lt3A = arith.cmpi slt, %squeeze3A_339, %add3A_341 : i32
        %and3A_342 = arith.andi %ge3A, %lt3A : i1
        %sub3A_343 = arith.subi %squeeze3A_339, %mul3A_72 : i32
        %jit3A_344 = arith.constant 512 : i32
        %select_n3A_345 = arith.select %and3A_342, %sub3A_343, %jit3A_344 : i32
        %broadcast_in_dim3A = vector.broadcast %scan3A_335 : i32 to vector<16xi32>
        %gather3A = tpu.vector_load_idx %arg11[%broadcast_in_dim3A] : memref<512xf32, #tpu.memory_space<vmem>>[vector<16xi32>], vector<16xf32>,
        %get3A_346 = arith.index_cast %scan3A_335 : i32 to index
        %get3A_347 = arith.constant 0 : index
        %get3A_348 = tpu.vector_load %arg12[%get3A_346, %get3A_347] {strides = array<i32>} : memref<512x64xf32, #tpu.memory_space<vmem>>, vector<16xf32>,
        %mul3A_349 = arith.mulf %get3A_348, %gather3A : vector<16xf32>
        %swap3A = arith.index_cast %select_n3A_345 : i32 to index
        %swap3A_350 = arith.constant 0 : index
        %swap3A_351 = tpu.vector_load %arg13[%swap3A, %swap3A_350] {strides = array<i32>} : memref<544x64xf32, #tpu.memory_space<vmem>>, vector<16xf32>,
        tpu.vector_store %arg13[%swap3A, %swap3A_350], %mul3A_349 {add = true, strides = array<i32>} : memref<544x64xf32, #tpu.memory_space<vmem>>, vector<16xf32>,
        %get3A_352 = arith.index_cast %scan3A_335 : i32 to index
        %get3A_353 = arith.constant 16 : index
        %get3A_354 = tpu.vector_load %arg12[%get3A_352, %get3A_353] {strides = array<i32>} : memref<512x64xf32, #tpu.memory_space<vmem>>, vector<16xf32>,
        %mul3A_355 = arith.mulf %get3A_354, %gather3A : vector<16xf32>
        %swap3A_356 = arith.index_cast %select_n3A_345 : i32 to index
        %swap3A_357 = arith.constant 16 : index
        %swap3A_358 = tpu.vector_load %arg13[%swap3A_356, %swap3A_357] {strides = array<i32>} : memref<544x64xf32, #tpu.memory_space<vmem>>, vector<16xf32>,
        tpu.vector_store %arg13[%swap3A_356, %swap3A_357], %mul3A_355 {add = true, strides = array<i32>} : memref<544x64xf32, #tpu.memory_space<vmem>>, vector<16xf32>,
        %get3A_359 = arith.index_cast %scan3A_335 : i32 to index
        %get3A_360 = arith.constant 32 : index
        %get3A_361 = tpu.vector_load %arg12[%get3A_359, %get3A_360] {strides = array<i32>} : memref<512x64xf32, #tpu.memory_space<vmem>>, vector<16xf32>,
        %mul3A_362 = arith.mulf %get3A_361, %gather3A : vector<16xf32>
        %swap3A_363 = arith.index_cast %select_n3A_345 : i32 to index
        %swap3A_364 = arith.constant 32 : index
        %swap3A_365 = tpu.vector_load %arg13[%swap3A_363, %swap3A_364] {strides = array<i32>} : memref<544x64xf32, #tpu.memory_space<vmem>>, vector<16xf32>,
        tpu.vector_store %arg13[%swap3A_363, %swap3A_364], %mul3A_362 {add = true, strides = array<i32>} : memref<544x64xf32, #tpu.memory_space<vmem>>, vector<16xf32>,
        %get3A_366 = arith.index_cast %scan3A_335 : i32 to index
        %get3A_367 = arith.constant 48 : index
        %get3A_368 = tpu.vector_load %arg12[%get3A_366, %get3A_367] {strides = array<i32>} : memref<512x64xf32, #tpu.memory_space<vmem>>, vector<16xf32>,
        %mul3A_369 = arith.mulf %get3A_368, %gather3A : vector<16xf32>
        %swap3A_370 = arith.index_cast %select_n3A_345 : i32 to index
        %swap3A_371 = arith.constant 48 : index
        %swap3A_372 = tpu.vector_load %arg13[%swap3A_370, %swap3A_371] {strides = array<i32>} : memref<544x64xf32, #tpu.memory_space<vmem>>, vector<16xf32>,
        tpu.vector_store %arg13[%swap3A_370, %swap3A_371], %mul3A_369 {add = true, strides = array<i32>} : memref<544x64xf32, #tpu.memory_space<vmem>>, vector<16xf32>,
      }
      %scan3A_334 = arith.constant 512 : i32
    }
    %while3A_145 = arith.constant 1 : i32
    scf.for %while3A_304 = %while3A_143 to %while3A_139 step %while3A_145  : i32 {
      %mul3A_305 = arith.constant 512 : i32
      %mul3A_306 = arith.muli %while3A_304, %mul3A_305 : i32
      %dma_start3A = tpu.memref_slice %arg4[%mul3A_306] : memref<2097152xi32, #tpu.memory_space<hbm>> -> memref<512xi32, #tpu.memory_space<hbm>>
      %dma_start3A_307 = tpu.memref_slice %arg4[%mul3A_306] : memref<2097152xi32, #tpu.memory_space<hbm>> -> memref<512xi32, #tpu.memory_space<hbm>>
      tpu.enqueue_dma source(%dma_start3A_307 : memref<512xi32, #tpu.memory_space<hbm>>) target(%arg9 : memref<512xi32, #tpu.memory_space<vmem>>) target_semaphore(%arg15 : memref<!tpu.dma_semaphore, #tpu.memory_space<semaphore_mem>>)
      %dma_start3A_308 = arith.constant 0 : i32
      %dma_start3A_309 = tpu.memref_slice %arg10[%dma_start3A_308] : memref<528xi32, #tpu.memory_space<vmem>> -> memref<512xi32, #tpu.memory_space<vmem>>
      %dma_start3A_310 = tpu.memref_slice %arg3[%mul3A_306] : memref<2097152xi32, #tpu.memory_space<hbm>> -> memref<512xi32, #tpu.memory_space<hbm>>
      %dma_start3A_311 = arith.constant 0 : i32
      %dma_start3A_312 = tpu.memref_slice %arg10[%dma_start3A_311] : memref<528xi32, #tpu.memory_space<vmem>> -> memref<512xi32, #tpu.memory_space<vmem>>
      %dma_start3A_313 = tpu.memref_slice %arg3[%mul3A_306] : memref<2097152xi32, #tpu.memory_space<hbm>> -> memref<512xi32, #tpu.memory_space<hbm>>
      tpu.enqueue_dma source(%dma_start3A_313 : memref<512xi32, #tpu.memory_space<hbm>>) target(%dma_start3A_312 : memref<512xi32, #tpu.memory_space<vmem>>) target_semaphore(%arg16 : memref<!tpu.dma_semaphore, #tpu.memory_space<semaphore_mem>>)
      %dma_start3A_314 = tpu.memref_slice %arg2[%mul3A_306] : memref<2097152xf32, #tpu.memory_space<hbm>> -> memref<512xf32, #tpu.memory_space<hbm>>
      %dma_start3A_315 = tpu.memref_slice %arg2[%mul3A_306] : memref<2097152xf32, #tpu.memory_space<hbm>> -> memref<512xf32, #tpu.memory_space<hbm>>
      tpu.enqueue_dma source(%dma_start3A_315 : memref<512xf32, #tpu.memory_space<hbm>>) target(%arg11 : memref<512xf32, #tpu.memory_space<vmem>>) target_semaphore(%arg17 : memref<!tpu.dma_semaphore, #tpu.memory_space<semaphore_mem>>)
      %dma_wait3A = tpu.memref_slice %arg4[%mul3A_306] : memref<2097152xi32, #tpu.memory_space<hbm>> -> memref<512xi32, #tpu.memory_space<hbm>>
      %dma_wait3A_316 = tpu.memref_slice %arg4[%mul3A_306] : memref<2097152xi32, #tpu.memory_space<hbm>> -> memref<512xi32, #tpu.memory_space<hbm>>
      tpu.wait_dma2 semaphore(%arg15 : memref<!tpu.dma_semaphore, #tpu.memory_space<semaphore_mem>>) src(%dma_wait3A_316 : memref<512xi32, #tpu.memory_space<hbm>>) dst(%arg9 : memref<512xi32, #tpu.memory_space<vmem>>)
      %dma_start3A_317 = arith.constant 0 : i32
      %dma_start3A_318 = arith.constant 0 : i32
      %dma_start3A_319 = tpu.memref_slice %arg5[%dma_start3A_317, %dma_start3A_318] : memref<65536x64xf32, #tpu.memory_space<hbm>> -> memref<65536x64xf32, #tpu.memory_space<hbm>>
      tpu.enqueue_indirect_dma source(%dma_start3A_319 : memref<65536x64xf32, #tpu.memory_space<hbm>>) target(%arg12 : memref<512x64xf32, #tpu.memory_space<vmem>>) offsets(%arg9 : memref<512xi32, #tpu.memory_space<vmem>>) semaphore(%arg14 : memref<!tpu.dma_semaphore, #tpu.memory_space<semaphore_mem>>)
      %dma_wait3A_320 = arith.constant 0 : i32
      %dma_wait3A_321 = tpu.memref_slice %arg10[%dma_wait3A_320] : memref<528xi32, #tpu.memory_space<vmem>> -> memref<512xi32, #tpu.memory_space<vmem>>
      %dma_wait3A_322 = tpu.memref_slice %arg3[%mul3A_306] : memref<2097152xi32, #tpu.memory_space<hbm>> -> memref<512xi32, #tpu.memory_space<hbm>>
      %dma_wait3A_323 = arith.constant 0 : i32
      %dma_wait3A_324 = tpu.memref_slice %arg10[%dma_wait3A_323] : memref<528xi32, #tpu.memory_space<vmem>> -> memref<512xi32, #tpu.memory_space<vmem>>
      %dma_wait3A_325 = tpu.memref_slice %arg3[%mul3A_306] : memref<2097152xi32, #tpu.memory_space<hbm>> -> memref<512xi32, #tpu.memory_space<hbm>>
      tpu.wait_dma2 semaphore(%arg16 : memref<!tpu.dma_semaphore, #tpu.memory_space<semaphore_mem>>) src(%dma_wait3A_325 : memref<512xi32, #tpu.memory_space<hbm>>) dst(%dma_wait3A_324 : memref<512xi32, #tpu.memory_space<vmem>>)
      %dma_wait3A_326 = tpu.memref_slice %arg2[%mul3A_306] : memref<2097152xf32, #tpu.memory_space<hbm>> -> memref<512xf32, #tpu.memory_space<hbm>>
      %dma_wait3A_327 = tpu.memref_slice %arg2[%mul3A_306] : memref<2097152xf32, #tpu.memory_space<hbm>> -> memref<512xf32, #tpu.memory_space<hbm>>
      tpu.wait_dma2 semaphore(%arg17 : memref<!tpu.dma_semaphore, #tpu.memory_space<semaphore_mem>>) src(%dma_wait3A_327 : memref<512xf32, #tpu.memory_space<hbm>>) dst(%arg11 : memref<512xf32, #tpu.memory_space<vmem>>)
      %dma_wait3A_328 = arith.constant 0 : i32
      %dma_wait3A_329 = arith.constant 0 : i32
      %dma_wait3A_330 = tpu.memref_slice %arg5[%dma_wait3A_328, %dma_wait3A_329] : memref<65536x64xf32, #tpu.memory_space<hbm>> -> memref<65536x64xf32, #tpu.memory_space<hbm>>
      tpu.wait_indirect_dma semaphore(%arg14 : memref<!tpu.dma_semaphore, #tpu.memory_space<semaphore_mem>>) src(%dma_wait3A_330 : memref<65536x64xf32, #tpu.memory_space<hbm>>) dst(%arg12 : memref<512x64xf32, #tpu.memory_space<vmem>>)
      %scan3A = arith.constant 0 : i32
      %scan3A_331 = arith.constant 512 : i32
      %scan3A_332 = arith.addi %scan3A, %scan3A_331 : i32
      %scan3A_333 = arith.constant 1 : i32
      scf.for %scan3A_335 = %scan3A to %scan3A_332 step %scan3A_333  : i32 {
        %get3A_336 = arith.index_cast %scan3A_335 : i32 to index
        %get3A_337 = tpu.vector_load %arg10[%get3A_336] {strides = array<i32>} : memref<528xi32, #tpu.memory_space<vmem>>, vector<16xi32>,
        %slice3A_338 = vector.extract_strided_slice %get3A_337 {offsets = [0], sizes = [1], strides = [1]} : vector<16xi32> to vector<1xi32>
        %squeeze3A_339 = vector.extract %slice3A_338[0] : i32 from vector<1xi32>
        %ge3A = arith.cmpi sge, %squeeze3A_339, %mul3A_72 : i32
        %add3A_340 = arith.constant 512 : i32
        %add3A_341 = arith.addi %mul3A_72, %add3A_340 : i32
        %lt3A = arith.cmpi slt, %squeeze3A_339, %add3A_341 : i32
        %and3A_342 = arith.andi %ge3A, %lt3A : i1
        %sub3A_343 = arith.subi %squeeze3A_339, %mul3A_72 : i32
        %jit3A_344 = arith.constant 512 : i32
        %select_n3A_345 = arith.select %and3A_342, %sub3A_343, %jit3A_344 : i32
        %broadcast_in_dim3A = vector.broadcast %scan3A_335 : i32 to vector<16xi32>
        %gather3A = tpu.vector_load_idx %arg11[%broadcast_in_dim3A] : memref<512xf32, #tpu.memory_space<vmem>>[vector<16xi32>], vector<16xf32>,
        %get3A_346 = arith.index_cast %scan3A_335 : i32 to index
        %get3A_347 = arith.constant 0 : index
        %get3A_348 = tpu.vector_load %arg12[%get3A_346, %get3A_347] {strides = array<i32>} : memref<512x64xf32, #tpu.memory_space<vmem>>, vector<16xf32>,
        %mul3A_349 = arith.mulf %get3A_348, %gather3A : vector<16xf32>
        %swap3A = arith.index_cast %select_n3A_345 : i32 to index
        %swap3A_350 = arith.constant 0 : index
        %swap3A_351 = tpu.vector_load %arg13[%swap3A, %swap3A_350] {strides = array<i32>} : memref<544x64xf32, #tpu.memory_space<vmem>>, vector<16xf32>,
        tpu.vector_store %arg13[%swap3A, %swap3A_350], %mul3A_349 {add = true, strides = array<i32>} : memref<544x64xf32, #tpu.memory_space<vmem>>, vector<16xf32>,
        %get3A_352 = arith.index_cast %scan3A_335 : i32 to index
        %get3A_353 = arith.constant 16 : index
        %get3A_354 = tpu.vector_load %arg12[%get3A_352, %get3A_353] {strides = array<i32>} : memref<512x64xf32, #tpu.memory_space<vmem>>, vector<16xf32>,
        %mul3A_355 = arith.mulf %get3A_354, %gather3A : vector<16xf32>
        %swap3A_356 = arith.index_cast %select_n3A_345 : i32 to index
        %swap3A_357 = arith.constant 16 : index
        %swap3A_358 = tpu.vector_load %arg13[%swap3A_356, %swap3A_357] {strides = array<i32>} : memref<544x64xf32, #tpu.memory_space<vmem>>, vector<16xf32>,
        tpu.vector_store %arg13[%swap3A_356, %swap3A_357], %mul3A_355 {add = true, strides = array<i32>} : memref<544x64xf32, #tpu.memory_space<vmem>>, vector<16xf32>,
        %get3A_359 = arith.index_cast %scan3A_335 : i32 to index
        %get3A_360 = arith.constant 32 : index
        %get3A_361 = tpu.vector_load %arg12[%get3A_359, %get3A_360] {strides = array<i32>} : memref<512x64xf32, #tpu.memory_space<vmem>>, vector<16xf32>,
        %mul3A_362 = arith.mulf %get3A_361, %gather3A : vector<16xf32>
        %swap3A_363 = arith.index_cast %select_n3A_345 : i32 to index
        %swap3A_364 = arith.constant 32 : index
        %swap3A_365 = tpu.vector_load %arg13[%swap3A_363, %swap3A_364] {strides = array<i32>} : memref<544x64xf32, #tpu.memory_space<vmem>>, vector<16xf32>,
        tpu.vector_store %arg13[%swap3A_363, %swap3A_364], %mul3A_362 {add = true, strides = array<i32>} : memref<544x64xf32, #tpu.memory_space<vmem>>, vector<16xf32>,
        %get3A_366 = arith.index_cast %scan3A_335 : i32 to index
        %get3A_367 = arith.constant 48 : index
        %get3A_368 = tpu.vector_load %arg12[%get3A_366, %get3A_367] {strides = array<i32>} : memref<512x64xf32, #tpu.memory_space<vmem>>, vector<16xf32>,
        %mul3A_369 = arith.mulf %get3A_368, %gather3A : vector<16xf32>
        %swap3A_370 = arith.index_cast %select_n3A_345 : i32 to index
        %swap3A_371 = arith.constant 48 : index
        %swap3A_372 = tpu.vector_load %arg13[%swap3A_370, %swap3A_371] {strides = array<i32>} : memref<544x64xf32, #tpu.memory_space<vmem>>, vector<16xf32>,
        tpu.vector_store %arg13[%swap3A_370, %swap3A_371], %mul3A_369 {add = true, strides = array<i32>} : memref<544x64xf32, #tpu.memory_space<vmem>>, vector<16xf32>,
      }
      %scan3A_334 = arith.constant 512 : i32
    }
    "tpu.region"() ({
      %run_scoped3A = tpu.sem_alloc : memref<!tpu.dma_semaphore, #tpu.memory_space<semaphore_mem>>
      %dma_start3A = arith.constant 0 : i32
      %dma_start3A_304 = arith.constant 0 : i32
      %dma_start3A_305 = tpu.memref_slice %arg13[%dma_start3A, %dma_start3A_304] : memref<544x64xf32, #tpu.memory_space<vmem>> -> memref<512x64xf32, #tpu.memory_space<vmem>>
      %dma_start3A_306 = arith.constant 0 : i32
      %dma_start3A_307 = tpu.memref_slice %arg7[%mul3A_72, %dma_start3A_306] : memref<65536x64xf32, #tpu.memory_space<hbm>> -> memref<512x64xf32, #tpu.memory_space<hbm>>
      %dma_start3A_308 = arith.constant 0 : i32
      %dma_start3A_309 = tpu.memref_slice %arg7[%mul3A_72, %dma_start3A_308] : memref<65536x64xf32, #tpu.memory_space<hbm>> -> memref<512x64xf32, #tpu.memory_space<hbm>>
      %dma_start3A_310 = arith.constant 0 : i32
      %dma_start3A_311 = arith.constant 0 : i32
      %dma_start3A_312 = tpu.memref_slice %arg13[%dma_start3A_310, %dma_start3A_311] : memref<544x64xf32, #tpu.memory_space<vmem>> -> memref<512x64xf32, #tpu.memory_space<vmem>>
      tpu.enqueue_dma source(%dma_start3A_312 : memref<512x64xf32, #tpu.memory_space<vmem>>) target(%dma_start3A_309 : memref<512x64xf32, #tpu.memory_space<hbm>>) target_semaphore(%run_scoped3A : memref<!tpu.dma_semaphore, #tpu.memory_space<semaphore_mem>>)
      %dma_wait3A = arith.constant 0 : i32
      %dma_wait3A_313 = arith.constant 0 : i32
      %dma_wait3A_314 = tpu.memref_slice %arg13[%dma_wait3A, %dma_wait3A_313] : memref<544x64xf32, #tpu.memory_space<vmem>> -> memref<512x64xf32, #tpu.memory_space<vmem>>
      %dma_wait3A_315 = arith.constant 0 : i32
      %dma_wait3A_316 = tpu.memref_slice %arg7[%mul3A_72, %dma_wait3A_315] : memref<65536x64xf32, #tpu.memory_space<hbm>> -> memref<512x64xf32, #tpu.memory_space<hbm>>
      %dma_wait3A_317 = arith.constant 0 : i32
      %dma_wait3A_318 = tpu.memref_slice %arg7[%mul3A_72, %dma_wait3A_317] : memref<65536x64xf32, #tpu.memory_space<hbm>> -> memref<512x64xf32, #tpu.memory_space<hbm>>
      %dma_wait3A_319 = arith.constant 0 : i32
      %dma_wait3A_320 = arith.constant 0 : i32
      %dma_wait3A_321 = tpu.memref_slice %arg13[%dma_wait3A_319, %dma_wait3A_320] : memref<544x64xf32, #tpu.memory_space<vmem>> -> memref<512x64xf32, #tpu.memory_space<vmem>>
      tpu.wait_dma2 semaphore(%run_scoped3A : memref<!tpu.dma_semaphore, #tpu.memory_space<semaphore_mem>>) src(%dma_wait3A_321 : memref<512x64xf32, #tpu.memory_space<vmem>>) dst(%dma_wait3A_318 : memref<512x64xf32, #tpu.memory_space<hbm>>)
      tpu.yield
    }) : () -> ()
    %mul3A_146 = arith.constant 4 : i32
    %mul3A_147 = arith.muli %add3A, %mul3A_146 : i32
    %add3A_148 = arith.constant 2 : i32
    %add3A_149 = arith.addi %mul3A_147, %add3A_148 : i32
    %mul3A_150 = arith.constant 512 : i32
    %mul3A_151 = arith.muli %add3A_149, %mul3A_150 : i32
    %parallel_loop3A_152 = arith.constant 0 : i32
    %parallel_loop3A_153 = arith.constant 544 : i32
    %parallel_loop3A_154 = arith.constant 1 : i32
    scf.for %parallel_loop3A_304 = %parallel_loop3A_152 to %parallel_loop3A_153 step %parallel_loop3A_154  : i32 {
      %parallel_loop3A_305 = arith.constant 0.000000e+00 : f32
      %parallel_loop3A_306 = vector.broadcast %parallel_loop3A_305 : f32 to vector<16xf32>
      %parallel_loop3A_307 = arith.index_cast %parallel_loop3A_304 : i32 to index
      %parallel_loop3A_308 = arith.constant 0 : index
      %parallel_loop3A_309 = tpu.vector_load %arg13[%parallel_loop3A_307, %parallel_loop3A_308] {strides = array<i32>} : memref<544x64xf32, #tpu.memory_space<vmem>>, vector<16xf32>,
      tpu.vector_store %arg13[%parallel_loop3A_307, %parallel_loop3A_308], %parallel_loop3A_306 {strides = array<i32>} : memref<544x64xf32, #tpu.memory_space<vmem>>, vector<16xf32>,
      %parallel_loop3A_310 = arith.constant 0.000000e+00 : f32
      %parallel_loop3A_311 = vector.broadcast %parallel_loop3A_310 : f32 to vector<16xf32>
      %parallel_loop3A_312 = arith.index_cast %parallel_loop3A_304 : i32 to index
      %parallel_loop3A_313 = arith.constant 16 : index
      %parallel_loop3A_314 = tpu.vector_load %arg13[%parallel_loop3A_312, %parallel_loop3A_313] {strides = array<i32>} : memref<544x64xf32, #tpu.memory_space<vmem>>, vector<16xf32>,
      tpu.vector_store %arg13[%parallel_loop3A_312, %parallel_loop3A_313], %parallel_loop3A_311 {strides = array<i32>} : memref<544x64xf32, #tpu.memory_space<vmem>>, vector<16xf32>,
      %parallel_loop3A_315 = arith.constant 0.000000e+00 : f32
      %parallel_loop3A_316 = vector.broadcast %parallel_loop3A_315 : f32 to vector<16xf32>
      %parallel_loop3A_317 = arith.index_cast %parallel_loop3A_304 : i32 to index
      %parallel_loop3A_318 = arith.constant 32 : index
      %parallel_loop3A_319 = tpu.vector_load %arg13[%parallel_loop3A_317, %parallel_loop3A_318] {strides = array<i32>} : memref<544x64xf32, #tpu.memory_space<vmem>>, vector<16xf32>,
      tpu.vector_store %arg13[%parallel_loop3A_317, %parallel_loop3A_318], %parallel_loop3A_316 {strides = array<i32>} : memref<544x64xf32, #tpu.memory_space<vmem>>, vector<16xf32>,
      %parallel_loop3A_320 = arith.constant 0.000000e+00 : f32
      %parallel_loop3A_321 = vector.broadcast %parallel_loop3A_320 : f32 to vector<16xf32>
      %parallel_loop3A_322 = arith.index_cast %parallel_loop3A_304 : i32 to index
      %parallel_loop3A_323 = arith.constant 48 : index
      %parallel_loop3A_324 = tpu.vector_load %arg13[%parallel_loop3A_322, %parallel_loop3A_323] {strides = array<i32>} : memref<544x64xf32, #tpu.memory_space<vmem>>, vector<16xf32>,
      tpu.vector_store %arg13[%parallel_loop3A_322, %parallel_loop3A_323], %parallel_loop3A_321 {strides = array<i32>} : memref<544x64xf32, #tpu.memory_space<vmem>>, vector<16xf32>,
    } {sc.loop_unroll_factor = 8 : i64, sc.parallel_access}
    %get3A_155 = arith.index_cast %add3A_149 : i32 to index
    %get3A_156 = tpu.vector_load %arg8[%get3A_155] {strides = array<i32>} : memref<160xi32, #tpu.memory_space<vmem>>, vector<16xi32>,
    %slice3A_157 = vector.extract_strided_slice %get3A_156 {offsets = [0], sizes = [1], strides = [1]} : vector<16xi32> to vector<1xi32>
    %squeeze3A_158 = vector.extract %slice3A_157[0] : i32 from vector<1xi32>
    %add3A_159 = arith.constant 1 : i32
    %add3A_160 = arith.addi %add3A_149, %add3A_159 : i32
    %get3A_161 = arith.index_cast %add3A_160 : i32 to index
    %get3A_162 = tpu.vector_load %arg8[%get3A_161] {strides = array<i32>} : memref<160xi32, #tpu.memory_space<vmem>>, vector<16xi32>,
    %slice3A_163 = vector.extract_strided_slice %get3A_162 {offsets = [0], sizes = [1], strides = [1]} : vector<16xi32> to vector<1xi32>
    %squeeze3A_164 = vector.extract %slice3A_163[0] : i32 from vector<1xi32>
    %jit3A_165 = arith.constant 512 : i32
    %div3A_166 = arith.divsi %squeeze3A_158, %jit3A_165 : i32
    %sign3A_167 = arith.constant 0 : i32
    %sign3A_168 = arith.cmpi sgt, %squeeze3A_158, %sign3A_167 : i32
    %sign3A_169 = arith.extui %sign3A_168 : i1 to i32
    %sign3A_170 = arith.constant 0 : i32
    %sign3A_171 = arith.cmpi slt, %squeeze3A_158, %sign3A_170 : i32
    %sign3A_172 = arith.extui %sign3A_171 : i1 to i32
    %sign3A_173 = arith.subi %sign3A_169, %sign3A_172 : i32
    %sign3A_174 = arith.constant 0 : i32
    %sign3A_175 = arith.cmpi sgt, %jit3A_165, %sign3A_174 : i32
    %sign3A_176 = arith.extui %sign3A_175 : i1 to i32
    %sign3A_177 = arith.constant 0 : i32
    %sign3A_178 = arith.cmpi slt, %jit3A_165, %sign3A_177 : i32
    %sign3A_179 = arith.extui %sign3A_178 : i1 to i32
    %sign3A_180 = arith.subi %sign3A_176, %sign3A_179 : i32
    %ne3A_181 = arith.cmpi ne, %sign3A_173, %sign3A_180 : i32
    %rem3A_182 = arith.remsi %squeeze3A_158, %jit3A_165 : i32
    %ne3A_183 = arith.constant 0 : i32
    %ne3A_184 = arith.cmpi ne, %rem3A_182, %ne3A_183 : i32
    %and3A_185 = arith.andi %ne3A_181, %ne3A_184 : i1
    %sub3A_186 = arith.constant 1 : i32
    %sub3A_187 = arith.subi %div3A_166, %sub3A_186 : i32
    %select_n3A_188 = arith.select %and3A_185, %sub3A_187, %div3A_166 : i32
    %add3A_189 = arith.constant 512 : i32
    %add3A_190 = arith.addi %squeeze3A_164, %add3A_189 : i32
    %sub3A_191 = arith.constant 1 : i32
    %sub3A_192 = arith.subi %add3A_190, %sub3A_191 : i32
    %jit3A_193 = arith.constant 512 : i32
    %div3A_194 = arith.divsi %sub3A_192, %jit3A_193 : i32
    %sign3A_195 = arith.constant 0 : i32
    %sign3A_196 = arith.cmpi sgt, %sub3A_192, %sign3A_195 : i32
    %sign3A_197 = arith.extui %sign3A_196 : i1 to i32
    %sign3A_198 = arith.constant 0 : i32
    %sign3A_199 = arith.cmpi slt, %sub3A_192, %sign3A_198 : i32
    %sign3A_200 = arith.extui %sign3A_199 : i1 to i32
    %sign3A_201 = arith.subi %sign3A_197, %sign3A_200 : i32
    %sign3A_202 = arith.constant 0 : i32
    %sign3A_203 = arith.cmpi sgt, %jit3A_193, %sign3A_202 : i32
    %sign3A_204 = arith.extui %sign3A_203 : i1 to i32
    %sign3A_205 = arith.constant 0 : i32
    %sign3A_206 = arith.cmpi slt, %jit3A_193, %sign3A_205 : i32
    %sign3A_207 = arith.extui %sign3A_206 : i1 to i32
    %sign3A_208 = arith.subi %sign3A_204, %sign3A_207 : i32
    %ne3A_209 = arith.cmpi ne, %sign3A_201, %sign3A_208 : i32
    %rem3A_210 = arith.remsi %sub3A_192, %jit3A_193 : i32
    %ne3A_211 = arith.constant 0 : i32
    %ne3A_212 = arith.cmpi ne, %rem3A_210, %ne3A_211 : i32
    %and3A_213 = arith.andi %ne3A_209, %ne3A_212 : i1
    %sub3A_214 = arith.constant 1 : i32
    %sub3A_215 = arith.subi %div3A_194, %sub3A_214 : i32
    %select_n3A_216 = arith.select %and3A_213, %sub3A_215, %div3A_194 : i32
    %while3A_217 = arith.subi %select_n3A_216, %select_n3A_188 : i32
    %while3A_218 = arith.addi %select_n3A_188, %while3A_217 : i32
    %while3A_219 = arith.constant 1 : i32
    %while3A_220 = arith.divsi %while3A_217, %while3A_219 : i32
    %while3A_221 = arith.muli %while3A_220, %while3A_219 : i32
    %while3A_222 = arith.addi %select_n3A_188, %while3A_221 : i32
    %while3A_223 = arith.constant 1 : i32
    scf.for %while3A_304 = %select_n3A_188 to %while3A_222 step %while3A_223  : i32 {
      %mul3A_305 = arith.constant 512 : i32
      %mul3A_306 = arith.muli %while3A_304, %mul3A_305 : i32
      %dma_start3A = tpu.memref_slice %arg4[%mul3A_306] : memref<2097152xi32, #tpu.memory_space<hbm>> -> memref<512xi32, #tpu.memory_space<hbm>>
      %dma_start3A_307 = tpu.memref_slice %arg4[%mul3A_306] : memref<2097152xi32, #tpu.memory_space<hbm>> -> memref<512xi32, #tpu.memory_space<hbm>>
      tpu.enqueue_dma source(%dma_start3A_307 : memref<512xi32, #tpu.memory_space<hbm>>) target(%arg9 : memref<512xi32, #tpu.memory_space<vmem>>) target_semaphore(%arg15 : memref<!tpu.dma_semaphore, #tpu.memory_space<semaphore_mem>>)
      %dma_start3A_308 = arith.constant 0 : i32
      %dma_start3A_309 = tpu.memref_slice %arg10[%dma_start3A_308] : memref<528xi32, #tpu.memory_space<vmem>> -> memref<512xi32, #tpu.memory_space<vmem>>
      %dma_start3A_310 = tpu.memref_slice %arg3[%mul3A_306] : memref<2097152xi32, #tpu.memory_space<hbm>> -> memref<512xi32, #tpu.memory_space<hbm>>
      %dma_start3A_311 = arith.constant 0 : i32
      %dma_start3A_312 = tpu.memref_slice %arg10[%dma_start3A_311] : memref<528xi32, #tpu.memory_space<vmem>> -> memref<512xi32, #tpu.memory_space<vmem>>
      %dma_start3A_313 = tpu.memref_slice %arg3[%mul3A_306] : memref<2097152xi32, #tpu.memory_space<hbm>> -> memref<512xi32, #tpu.memory_space<hbm>>
      tpu.enqueue_dma source(%dma_start3A_313 : memref<512xi32, #tpu.memory_space<hbm>>) target(%dma_start3A_312 : memref<512xi32, #tpu.memory_space<vmem>>) target_semaphore(%arg16 : memref<!tpu.dma_semaphore, #tpu.memory_space<semaphore_mem>>)
      %dma_start3A_314 = tpu.memref_slice %arg2[%mul3A_306] : memref<2097152xf32, #tpu.memory_space<hbm>> -> memref<512xf32, #tpu.memory_space<hbm>>
      %dma_start3A_315 = tpu.memref_slice %arg2[%mul3A_306] : memref<2097152xf32, #tpu.memory_space<hbm>> -> memref<512xf32, #tpu.memory_space<hbm>>
      tpu.enqueue_dma source(%dma_start3A_315 : memref<512xf32, #tpu.memory_space<hbm>>) target(%arg11 : memref<512xf32, #tpu.memory_space<vmem>>) target_semaphore(%arg17 : memref<!tpu.dma_semaphore, #tpu.memory_space<semaphore_mem>>)
      %dma_wait3A = tpu.memref_slice %arg4[%mul3A_306] : memref<2097152xi32, #tpu.memory_space<hbm>> -> memref<512xi32, #tpu.memory_space<hbm>>
      %dma_wait3A_316 = tpu.memref_slice %arg4[%mul3A_306] : memref<2097152xi32, #tpu.memory_space<hbm>> -> memref<512xi32, #tpu.memory_space<hbm>>
      tpu.wait_dma2 semaphore(%arg15 : memref<!tpu.dma_semaphore, #tpu.memory_space<semaphore_mem>>) src(%dma_wait3A_316 : memref<512xi32, #tpu.memory_space<hbm>>) dst(%arg9 : memref<512xi32, #tpu.memory_space<vmem>>)
      %dma_start3A_317 = arith.constant 0 : i32
      %dma_start3A_318 = arith.constant 0 : i32
      %dma_start3A_319 = tpu.memref_slice %arg5[%dma_start3A_317, %dma_start3A_318] : memref<65536x64xf32, #tpu.memory_space<hbm>> -> memref<65536x64xf32, #tpu.memory_space<hbm>>
      tpu.enqueue_indirect_dma source(%dma_start3A_319 : memref<65536x64xf32, #tpu.memory_space<hbm>>) target(%arg12 : memref<512x64xf32, #tpu.memory_space<vmem>>) offsets(%arg9 : memref<512xi32, #tpu.memory_space<vmem>>) semaphore(%arg14 : memref<!tpu.dma_semaphore, #tpu.memory_space<semaphore_mem>>)
      %dma_wait3A_320 = arith.constant 0 : i32
      %dma_wait3A_321 = tpu.memref_slice %arg10[%dma_wait3A_320] : memref<528xi32, #tpu.memory_space<vmem>> -> memref<512xi32, #tpu.memory_space<vmem>>
      %dma_wait3A_322 = tpu.memref_slice %arg3[%mul3A_306] : memref<2097152xi32, #tpu.memory_space<hbm>> -> memref<512xi32, #tpu.memory_space<hbm>>
      %dma_wait3A_323 = arith.constant 0 : i32
      %dma_wait3A_324 = tpu.memref_slice %arg10[%dma_wait3A_323] : memref<528xi32, #tpu.memory_space<vmem>> -> memref<512xi32, #tpu.memory_space<vmem>>
      %dma_wait3A_325 = tpu.memref_slice %arg3[%mul3A_306] : memref<2097152xi32, #tpu.memory_space<hbm>> -> memref<512xi32, #tpu.memory_space<hbm>>
      tpu.wait_dma2 semaphore(%arg16 : memref<!tpu.dma_semaphore, #tpu.memory_space<semaphore_mem>>) src(%dma_wait3A_325 : memref<512xi32, #tpu.memory_space<hbm>>) dst(%dma_wait3A_324 : memref<512xi32, #tpu.memory_space<vmem>>)
      %dma_wait3A_326 = tpu.memref_slice %arg2[%mul3A_306] : memref<2097152xf32, #tpu.memory_space<hbm>> -> memref<512xf32, #tpu.memory_space<hbm>>
      %dma_wait3A_327 = tpu.memref_slice %arg2[%mul3A_306] : memref<2097152xf32, #tpu.memory_space<hbm>> -> memref<512xf32, #tpu.memory_space<hbm>>
      tpu.wait_dma2 semaphore(%arg17 : memref<!tpu.dma_semaphore, #tpu.memory_space<semaphore_mem>>) src(%dma_wait3A_327 : memref<512xf32, #tpu.memory_space<hbm>>) dst(%arg11 : memref<512xf32, #tpu.memory_space<vmem>>)
      %dma_wait3A_328 = arith.constant 0 : i32
      %dma_wait3A_329 = arith.constant 0 : i32
      %dma_wait3A_330 = tpu.memref_slice %arg5[%dma_wait3A_328, %dma_wait3A_329] : memref<65536x64xf32, #tpu.memory_space<hbm>> -> memref<65536x64xf32, #tpu.memory_space<hbm>>
      tpu.wait_indirect_dma semaphore(%arg14 : memref<!tpu.dma_semaphore, #tpu.memory_space<semaphore_mem>>) src(%dma_wait3A_330 : memref<65536x64xf32, #tpu.memory_space<hbm>>) dst(%arg12 : memref<512x64xf32, #tpu.memory_space<vmem>>)
      %scan3A = arith.constant 0 : i32
      %scan3A_331 = arith.constant 512 : i32
      %scan3A_332 = arith.addi %scan3A, %scan3A_331 : i32
      %scan3A_333 = arith.constant 1 : i32
      scf.for %scan3A_335 = %scan3A to %scan3A_332 step %scan3A_333  : i32 {
        %get3A_336 = arith.index_cast %scan3A_335 : i32 to index
        %get3A_337 = tpu.vector_load %arg10[%get3A_336] {strides = array<i32>} : memref<528xi32, #tpu.memory_space<vmem>>, vector<16xi32>,
        %slice3A_338 = vector.extract_strided_slice %get3A_337 {offsets = [0], sizes = [1], strides = [1]} : vector<16xi32> to vector<1xi32>
        %squeeze3A_339 = vector.extract %slice3A_338[0] : i32 from vector<1xi32>
        %ge3A = arith.cmpi sge, %squeeze3A_339, %mul3A_151 : i32
        %add3A_340 = arith.constant 512 : i32
        %add3A_341 = arith.addi %mul3A_151, %add3A_340 : i32
        %lt3A = arith.cmpi slt, %squeeze3A_339, %add3A_341 : i32
        %and3A_342 = arith.andi %ge3A, %lt3A : i1
        %sub3A_343 = arith.subi %squeeze3A_339, %mul3A_151 : i32
        %jit3A_344 = arith.constant 512 : i32
        %select_n3A_345 = arith.select %and3A_342, %sub3A_343, %jit3A_344 : i32
        %broadcast_in_dim3A = vector.broadcast %scan3A_335 : i32 to vector<16xi32>
        %gather3A = tpu.vector_load_idx %arg11[%broadcast_in_dim3A] : memref<512xf32, #tpu.memory_space<vmem>>[vector<16xi32>], vector<16xf32>,
        %get3A_346 = arith.index_cast %scan3A_335 : i32 to index
        %get3A_347 = arith.constant 0 : index
        %get3A_348 = tpu.vector_load %arg12[%get3A_346, %get3A_347] {strides = array<i32>} : memref<512x64xf32, #tpu.memory_space<vmem>>, vector<16xf32>,
        %mul3A_349 = arith.mulf %get3A_348, %gather3A : vector<16xf32>
        %swap3A = arith.index_cast %select_n3A_345 : i32 to index
        %swap3A_350 = arith.constant 0 : index
        %swap3A_351 = tpu.vector_load %arg13[%swap3A, %swap3A_350] {strides = array<i32>} : memref<544x64xf32, #tpu.memory_space<vmem>>, vector<16xf32>,
        tpu.vector_store %arg13[%swap3A, %swap3A_350], %mul3A_349 {add = true, strides = array<i32>} : memref<544x64xf32, #tpu.memory_space<vmem>>, vector<16xf32>,
        %get3A_352 = arith.index_cast %scan3A_335 : i32 to index
        %get3A_353 = arith.constant 16 : index
        %get3A_354 = tpu.vector_load %arg12[%get3A_352, %get3A_353] {strides = array<i32>} : memref<512x64xf32, #tpu.memory_space<vmem>>, vector<16xf32>,
        %mul3A_355 = arith.mulf %get3A_354, %gather3A : vector<16xf32>
        %swap3A_356 = arith.index_cast %select_n3A_345 : i32 to index
        %swap3A_357 = arith.constant 16 : index
        %swap3A_358 = tpu.vector_load %arg13[%swap3A_356, %swap3A_357] {strides = array<i32>} : memref<544x64xf32, #tpu.memory_space<vmem>>, vector<16xf32>,
        tpu.vector_store %arg13[%swap3A_356, %swap3A_357], %mul3A_355 {add = true, strides = array<i32>} : memref<544x64xf32, #tpu.memory_space<vmem>>, vector<16xf32>,
        %get3A_359 = arith.index_cast %scan3A_335 : i32 to index
        %get3A_360 = arith.constant 32 : index
        %get3A_361 = tpu.vector_load %arg12[%get3A_359, %get3A_360] {strides = array<i32>} : memref<512x64xf32, #tpu.memory_space<vmem>>, vector<16xf32>,
        %mul3A_362 = arith.mulf %get3A_361, %gather3A : vector<16xf32>
        %swap3A_363 = arith.index_cast %select_n3A_345 : i32 to index
        %swap3A_364 = arith.constant 32 : index
        %swap3A_365 = tpu.vector_load %arg13[%swap3A_363, %swap3A_364] {strides = array<i32>} : memref<544x64xf32, #tpu.memory_space<vmem>>, vector<16xf32>,
        tpu.vector_store %arg13[%swap3A_363, %swap3A_364], %mul3A_362 {add = true, strides = array<i32>} : memref<544x64xf32, #tpu.memory_space<vmem>>, vector<16xf32>,
        %get3A_366 = arith.index_cast %scan3A_335 : i32 to index
        %get3A_367 = arith.constant 48 : index
        %get3A_368 = tpu.vector_load %arg12[%get3A_366, %get3A_367] {strides = array<i32>} : memref<512x64xf32, #tpu.memory_space<vmem>>, vector<16xf32>,
        %mul3A_369 = arith.mulf %get3A_368, %gather3A : vector<16xf32>
        %swap3A_370 = arith.index_cast %select_n3A_345 : i32 to index
        %swap3A_371 = arith.constant 48 : index
        %swap3A_372 = tpu.vector_load %arg13[%swap3A_370, %swap3A_371] {strides = array<i32>} : memref<544x64xf32, #tpu.memory_space<vmem>>, vector<16xf32>,
        tpu.vector_store %arg13[%swap3A_370, %swap3A_371], %mul3A_369 {add = true, strides = array<i32>} : memref<544x64xf32, #tpu.memory_space<vmem>>, vector<16xf32>,
      }
      %scan3A_334 = arith.constant 512 : i32
    }
    %while3A_224 = arith.constant 1 : i32
    scf.for %while3A_304 = %while3A_222 to %while3A_218 step %while3A_224  : i32 {
      %mul3A_305 = arith.constant 512 : i32
      %mul3A_306 = arith.muli %while3A_304, %mul3A_305 : i32
      %dma_start3A = tpu.memref_slice %arg4[%mul3A_306] : memref<2097152xi32, #tpu.memory_space<hbm>> -> memref<512xi32, #tpu.memory_space<hbm>>
      %dma_start3A_307 = tpu.memref_slice %arg4[%mul3A_306] : memref<2097152xi32, #tpu.memory_space<hbm>> -> memref<512xi32, #tpu.memory_space<hbm>>
      tpu.enqueue_dma source(%dma_start3A_307 : memref<512xi32, #tpu.memory_space<hbm>>) target(%arg9 : memref<512xi32, #tpu.memory_space<vmem>>) target_semaphore(%arg15 : memref<!tpu.dma_semaphore, #tpu.memory_space<semaphore_mem>>)
      %dma_start3A_308 = arith.constant 0 : i32
      %dma_start3A_309 = tpu.memref_slice %arg10[%dma_start3A_308] : memref<528xi32, #tpu.memory_space<vmem>> -> memref<512xi32, #tpu.memory_space<vmem>>
      %dma_start3A_310 = tpu.memref_slice %arg3[%mul3A_306] : memref<2097152xi32, #tpu.memory_space<hbm>> -> memref<512xi32, #tpu.memory_space<hbm>>
      %dma_start3A_311 = arith.constant 0 : i32
      %dma_start3A_312 = tpu.memref_slice %arg10[%dma_start3A_311] : memref<528xi32, #tpu.memory_space<vmem>> -> memref<512xi32, #tpu.memory_space<vmem>>
      %dma_start3A_313 = tpu.memref_slice %arg3[%mul3A_306] : memref<2097152xi32, #tpu.memory_space<hbm>> -> memref<512xi32, #tpu.memory_space<hbm>>
      tpu.enqueue_dma source(%dma_start3A_313 : memref<512xi32, #tpu.memory_space<hbm>>) target(%dma_start3A_312 : memref<512xi32, #tpu.memory_space<vmem>>) target_semaphore(%arg16 : memref<!tpu.dma_semaphore, #tpu.memory_space<semaphore_mem>>)
      %dma_start3A_314 = tpu.memref_slice %arg2[%mul3A_306] : memref<2097152xf32, #tpu.memory_space<hbm>> -> memref<512xf32, #tpu.memory_space<hbm>>
      %dma_start3A_315 = tpu.memref_slice %arg2[%mul3A_306] : memref<2097152xf32, #tpu.memory_space<hbm>> -> memref<512xf32, #tpu.memory_space<hbm>>
      tpu.enqueue_dma source(%dma_start3A_315 : memref<512xf32, #tpu.memory_space<hbm>>) target(%arg11 : memref<512xf32, #tpu.memory_space<vmem>>) target_semaphore(%arg17 : memref<!tpu.dma_semaphore, #tpu.memory_space<semaphore_mem>>)
      %dma_wait3A = tpu.memref_slice %arg4[%mul3A_306] : memref<2097152xi32, #tpu.memory_space<hbm>> -> memref<512xi32, #tpu.memory_space<hbm>>
      %dma_wait3A_316 = tpu.memref_slice %arg4[%mul3A_306] : memref<2097152xi32, #tpu.memory_space<hbm>> -> memref<512xi32, #tpu.memory_space<hbm>>
      tpu.wait_dma2 semaphore(%arg15 : memref<!tpu.dma_semaphore, #tpu.memory_space<semaphore_mem>>) src(%dma_wait3A_316 : memref<512xi32, #tpu.memory_space<hbm>>) dst(%arg9 : memref<512xi32, #tpu.memory_space<vmem>>)
      %dma_start3A_317 = arith.constant 0 : i32
      %dma_start3A_318 = arith.constant 0 : i32
      %dma_start3A_319 = tpu.memref_slice %arg5[%dma_start3A_317, %dma_start3A_318] : memref<65536x64xf32, #tpu.memory_space<hbm>> -> memref<65536x64xf32, #tpu.memory_space<hbm>>
      tpu.enqueue_indirect_dma source(%dma_start3A_319 : memref<65536x64xf32, #tpu.memory_space<hbm>>) target(%arg12 : memref<512x64xf32, #tpu.memory_space<vmem>>) offsets(%arg9 : memref<512xi32, #tpu.memory_space<vmem>>) semaphore(%arg14 : memref<!tpu.dma_semaphore, #tpu.memory_space<semaphore_mem>>)
      %dma_wait3A_320 = arith.constant 0 : i32
      %dma_wait3A_321 = tpu.memref_slice %arg10[%dma_wait3A_320] : memref<528xi32, #tpu.memory_space<vmem>> -> memref<512xi32, #tpu.memory_space<vmem>>
      %dma_wait3A_322 = tpu.memref_slice %arg3[%mul3A_306] : memref<2097152xi32, #tpu.memory_space<hbm>> -> memref<512xi32, #tpu.memory_space<hbm>>
      %dma_wait3A_323 = arith.constant 0 : i32
      %dma_wait3A_324 = tpu.memref_slice %arg10[%dma_wait3A_323] : memref<528xi32, #tpu.memory_space<vmem>> -> memref<512xi32, #tpu.memory_space<vmem>>
      %dma_wait3A_325 = tpu.memref_slice %arg3[%mul3A_306] : memref<2097152xi32, #tpu.memory_space<hbm>> -> memref<512xi32, #tpu.memory_space<hbm>>
      tpu.wait_dma2 semaphore(%arg16 : memref<!tpu.dma_semaphore, #tpu.memory_space<semaphore_mem>>) src(%dma_wait3A_325 : memref<512xi32, #tpu.memory_space<hbm>>) dst(%dma_wait3A_324 : memref<512xi32, #tpu.memory_space<vmem>>)
      %dma_wait3A_326 = tpu.memref_slice %arg2[%mul3A_306] : memref<2097152xf32, #tpu.memory_space<hbm>> -> memref<512xf32, #tpu.memory_space<hbm>>
      %dma_wait3A_327 = tpu.memref_slice %arg2[%mul3A_306] : memref<2097152xf32, #tpu.memory_space<hbm>> -> memref<512xf32, #tpu.memory_space<hbm>>
      tpu.wait_dma2 semaphore(%arg17 : memref<!tpu.dma_semaphore, #tpu.memory_space<semaphore_mem>>) src(%dma_wait3A_327 : memref<512xf32, #tpu.memory_space<hbm>>) dst(%arg11 : memref<512xf32, #tpu.memory_space<vmem>>)
      %dma_wait3A_328 = arith.constant 0 : i32
      %dma_wait3A_329 = arith.constant 0 : i32
      %dma_wait3A_330 = tpu.memref_slice %arg5[%dma_wait3A_328, %dma_wait3A_329] : memref<65536x64xf32, #tpu.memory_space<hbm>> -> memref<65536x64xf32, #tpu.memory_space<hbm>>
      tpu.wait_indirect_dma semaphore(%arg14 : memref<!tpu.dma_semaphore, #tpu.memory_space<semaphore_mem>>) src(%dma_wait3A_330 : memref<65536x64xf32, #tpu.memory_space<hbm>>) dst(%arg12 : memref<512x64xf32, #tpu.memory_space<vmem>>)
      %scan3A = arith.constant 0 : i32
      %scan3A_331 = arith.constant 512 : i32
      %scan3A_332 = arith.addi %scan3A, %scan3A_331 : i32
      %scan3A_333 = arith.constant 1 : i32
      scf.for %scan3A_335 = %scan3A to %scan3A_332 step %scan3A_333  : i32 {
        %get3A_336 = arith.index_cast %scan3A_335 : i32 to index
        %get3A_337 = tpu.vector_load %arg10[%get3A_336] {strides = array<i32>} : memref<528xi32, #tpu.memory_space<vmem>>, vector<16xi32>,
        %slice3A_338 = vector.extract_strided_slice %get3A_337 {offsets = [0], sizes = [1], strides = [1]} : vector<16xi32> to vector<1xi32>
        %squeeze3A_339 = vector.extract %slice3A_338[0] : i32 from vector<1xi32>
        %ge3A = arith.cmpi sge, %squeeze3A_339, %mul3A_151 : i32
        %add3A_340 = arith.constant 512 : i32
        %add3A_341 = arith.addi %mul3A_151, %add3A_340 : i32
        %lt3A = arith.cmpi slt, %squeeze3A_339, %add3A_341 : i32
        %and3A_342 = arith.andi %ge3A, %lt3A : i1
        %sub3A_343 = arith.subi %squeeze3A_339, %mul3A_151 : i32
        %jit3A_344 = arith.constant 512 : i32
        %select_n3A_345 = arith.select %and3A_342, %sub3A_343, %jit3A_344 : i32
        %broadcast_in_dim3A = vector.broadcast %scan3A_335 : i32 to vector<16xi32>
        %gather3A = tpu.vector_load_idx %arg11[%broadcast_in_dim3A] : memref<512xf32, #tpu.memory_space<vmem>>[vector<16xi32>], vector<16xf32>,
        %get3A_346 = arith.index_cast %scan3A_335 : i32 to index
        %get3A_347 = arith.constant 0 : index
        %get3A_348 = tpu.vector_load %arg12[%get3A_346, %get3A_347] {strides = array<i32>} : memref<512x64xf32, #tpu.memory_space<vmem>>, vector<16xf32>,
        %mul3A_349 = arith.mulf %get3A_348, %gather3A : vector<16xf32>
        %swap3A = arith.index_cast %select_n3A_345 : i32 to index
        %swap3A_350 = arith.constant 0 : index
        %swap3A_351 = tpu.vector_load %arg13[%swap3A, %swap3A_350] {strides = array<i32>} : memref<544x64xf32, #tpu.memory_space<vmem>>, vector<16xf32>,
        tpu.vector_store %arg13[%swap3A, %swap3A_350], %mul3A_349 {add = true, strides = array<i32>} : memref<544x64xf32, #tpu.memory_space<vmem>>, vector<16xf32>,
        %get3A_352 = arith.index_cast %scan3A_335 : i32 to index
        %get3A_353 = arith.constant 16 : index
        %get3A_354 = tpu.vector_load %arg12[%get3A_352, %get3A_353] {strides = array<i32>} : memref<512x64xf32, #tpu.memory_space<vmem>>, vector<16xf32>,
        %mul3A_355 = arith.mulf %get3A_354, %gather3A : vector<16xf32>
        %swap3A_356 = arith.index_cast %select_n3A_345 : i32 to index
        %swap3A_357 = arith.constant 16 : index
        %swap3A_358 = tpu.vector_load %arg13[%swap3A_356, %swap3A_357] {strides = array<i32>} : memref<544x64xf32, #tpu.memory_space<vmem>>, vector<16xf32>,
        tpu.vector_store %arg13[%swap3A_356, %swap3A_357], %mul3A_355 {add = true, strides = array<i32>} : memref<544x64xf32, #tpu.memory_space<vmem>>, vector<16xf32>,
        %get3A_359 = arith.index_cast %scan3A_335 : i32 to index
        %get3A_360 = arith.constant 32 : index
        %get3A_361 = tpu.vector_load %arg12[%get3A_359, %get3A_360] {strides = array<i32>} : memref<512x64xf32, #tpu.memory_space<vmem>>, vector<16xf32>,
        %mul3A_362 = arith.mulf %get3A_361, %gather3A : vector<16xf32>
        %swap3A_363 = arith.index_cast %select_n3A_345 : i32 to index
        %swap3A_364 = arith.constant 32 : index
        %swap3A_365 = tpu.vector_load %arg13[%swap3A_363, %swap3A_364] {strides = array<i32>} : memref<544x64xf32, #tpu.memory_space<vmem>>, vector<16xf32>,
        tpu.vector_store %arg13[%swap3A_363, %swap3A_364], %mul3A_362 {add = true, strides = array<i32>} : memref<544x64xf32, #tpu.memory_space<vmem>>, vector<16xf32>,
        %get3A_366 = arith.index_cast %scan3A_335 : i32 to index
        %get3A_367 = arith.constant 48 : index
        %get3A_368 = tpu.vector_load %arg12[%get3A_366, %get3A_367] {strides = array<i32>} : memref<512x64xf32, #tpu.memory_space<vmem>>, vector<16xf32>,
        %mul3A_369 = arith.mulf %get3A_368, %gather3A : vector<16xf32>
        %swap3A_370 = arith.index_cast %select_n3A_345 : i32 to index
        %swap3A_371 = arith.constant 48 : index
        %swap3A_372 = tpu.vector_load %arg13[%swap3A_370, %swap3A_371] {strides = array<i32>} : memref<544x64xf32, #tpu.memory_space<vmem>>, vector<16xf32>,
        tpu.vector_store %arg13[%swap3A_370, %swap3A_371], %mul3A_369 {add = true, strides = array<i32>} : memref<544x64xf32, #tpu.memory_space<vmem>>, vector<16xf32>,
      }
      %scan3A_334 = arith.constant 512 : i32
    }
    "tpu.region"() ({
      %run_scoped3A = tpu.sem_alloc : memref<!tpu.dma_semaphore, #tpu.memory_space<semaphore_mem>>
      %dma_start3A = arith.constant 0 : i32
      %dma_start3A_304 = arith.constant 0 : i32
      %dma_start3A_305 = tpu.memref_slice %arg13[%dma_start3A, %dma_start3A_304] : memref<544x64xf32, #tpu.memory_space<vmem>> -> memref<512x64xf32, #tpu.memory_space<vmem>>
      %dma_start3A_306 = arith.constant 0 : i32
      %dma_start3A_307 = tpu.memref_slice %arg7[%mul3A_151, %dma_start3A_306] : memref<65536x64xf32, #tpu.memory_space<hbm>> -> memref<512x64xf32, #tpu.memory_space<hbm>>
      %dma_start3A_308 = arith.constant 0 : i32
      %dma_start3A_309 = tpu.memref_slice %arg7[%mul3A_151, %dma_start3A_308] : memref<65536x64xf32, #tpu.memory_space<hbm>> -> memref<512x64xf32, #tpu.memory_space<hbm>>
      %dma_start3A_310 = arith.constant 0 : i32
      %dma_start3A_311 = arith.constant 0 : i32
      %dma_start3A_312 = tpu.memref_slice %arg13[%dma_start3A_310, %dma_start3A_311] : memref<544x64xf32, #tpu.memory_space<vmem>> -> memref<512x64xf32, #tpu.memory_space<vmem>>
      tpu.enqueue_dma source(%dma_start3A_312 : memref<512x64xf32, #tpu.memory_space<vmem>>) target(%dma_start3A_309 : memref<512x64xf32, #tpu.memory_space<hbm>>) target_semaphore(%run_scoped3A : memref<!tpu.dma_semaphore, #tpu.memory_space<semaphore_mem>>)
      %dma_wait3A = arith.constant 0 : i32
      %dma_wait3A_313 = arith.constant 0 : i32
      %dma_wait3A_314 = tpu.memref_slice %arg13[%dma_wait3A, %dma_wait3A_313] : memref<544x64xf32, #tpu.memory_space<vmem>> -> memref<512x64xf32, #tpu.memory_space<vmem>>
      %dma_wait3A_315 = arith.constant 0 : i32
      %dma_wait3A_316 = tpu.memref_slice %arg7[%mul3A_151, %dma_wait3A_315] : memref<65536x64xf32, #tpu.memory_space<hbm>> -> memref<512x64xf32, #tpu.memory_space<hbm>>
      %dma_wait3A_317 = arith.constant 0 : i32
      %dma_wait3A_318 = tpu.memref_slice %arg7[%mul3A_151, %dma_wait3A_317] : memref<65536x64xf32, #tpu.memory_space<hbm>> -> memref<512x64xf32, #tpu.memory_space<hbm>>
      %dma_wait3A_319 = arith.constant 0 : i32
      %dma_wait3A_320 = arith.constant 0 : i32
      %dma_wait3A_321 = tpu.memref_slice %arg13[%dma_wait3A_319, %dma_wait3A_320] : memref<544x64xf32, #tpu.memory_space<vmem>> -> memref<512x64xf32, #tpu.memory_space<vmem>>
      tpu.wait_dma2 semaphore(%run_scoped3A : memref<!tpu.dma_semaphore, #tpu.memory_space<semaphore_mem>>) src(%dma_wait3A_321 : memref<512x64xf32, #tpu.memory_space<vmem>>) dst(%dma_wait3A_318 : memref<512x64xf32, #tpu.memory_space<hbm>>)
      tpu.yield
    }) : () -> ()
    %mul3A_225 = arith.constant 4 : i32
    %mul3A_226 = arith.muli %add3A, %mul3A_225 : i32
    %add3A_227 = arith.constant 3 : i32
    %add3A_228 = arith.addi %mul3A_226, %add3A_227 : i32
    %mul3A_229 = arith.constant 512 : i32
    %mul3A_230 = arith.muli %add3A_228, %mul3A_229 : i32
    %parallel_loop3A_231 = arith.constant 0 : i32
    %parallel_loop3A_232 = arith.constant 544 : i32
    %parallel_loop3A_233 = arith.constant 1 : i32
    scf.for %parallel_loop3A_304 = %parallel_loop3A_231 to %parallel_loop3A_232 step %parallel_loop3A_233  : i32 {
      %parallel_loop3A_305 = arith.constant 0.000000e+00 : f32
      %parallel_loop3A_306 = vector.broadcast %parallel_loop3A_305 : f32 to vector<16xf32>
      %parallel_loop3A_307 = arith.index_cast %parallel_loop3A_304 : i32 to index
      %parallel_loop3A_308 = arith.constant 0 : index
      %parallel_loop3A_309 = tpu.vector_load %arg13[%parallel_loop3A_307, %parallel_loop3A_308] {strides = array<i32>} : memref<544x64xf32, #tpu.memory_space<vmem>>, vector<16xf32>,
      tpu.vector_store %arg13[%parallel_loop3A_307, %parallel_loop3A_308], %parallel_loop3A_306 {strides = array<i32>} : memref<544x64xf32, #tpu.memory_space<vmem>>, vector<16xf32>,
      %parallel_loop3A_310 = arith.constant 0.000000e+00 : f32
      %parallel_loop3A_311 = vector.broadcast %parallel_loop3A_310 : f32 to vector<16xf32>
      %parallel_loop3A_312 = arith.index_cast %parallel_loop3A_304 : i32 to index
      %parallel_loop3A_313 = arith.constant 16 : index
      %parallel_loop3A_314 = tpu.vector_load %arg13[%parallel_loop3A_312, %parallel_loop3A_313] {strides = array<i32>} : memref<544x64xf32, #tpu.memory_space<vmem>>, vector<16xf32>,
      tpu.vector_store %arg13[%parallel_loop3A_312, %parallel_loop3A_313], %parallel_loop3A_311 {strides = array<i32>} : memref<544x64xf32, #tpu.memory_space<vmem>>, vector<16xf32>,
      %parallel_loop3A_315 = arith.constant 0.000000e+00 : f32
      %parallel_loop3A_316 = vector.broadcast %parallel_loop3A_315 : f32 to vector<16xf32>
      %parallel_loop3A_317 = arith.index_cast %parallel_loop3A_304 : i32 to index
      %parallel_loop3A_318 = arith.constant 32 : index
      %parallel_loop3A_319 = tpu.vector_load %arg13[%parallel_loop3A_317, %parallel_loop3A_318] {strides = array<i32>} : memref<544x64xf32, #tpu.memory_space<vmem>>, vector<16xf32>,
      tpu.vector_store %arg13[%parallel_loop3A_317, %parallel_loop3A_318], %parallel_loop3A_316 {strides = array<i32>} : memref<544x64xf32, #tpu.memory_space<vmem>>, vector<16xf32>,
      %parallel_loop3A_320 = arith.constant 0.000000e+00 : f32
      %parallel_loop3A_321 = vector.broadcast %parallel_loop3A_320 : f32 to vector<16xf32>
      %parallel_loop3A_322 = arith.index_cast %parallel_loop3A_304 : i32 to index
      %parallel_loop3A_323 = arith.constant 48 : index
      %parallel_loop3A_324 = tpu.vector_load %arg13[%parallel_loop3A_322, %parallel_loop3A_323] {strides = array<i32>} : memref<544x64xf32, #tpu.memory_space<vmem>>, vector<16xf32>,
      tpu.vector_store %arg13[%parallel_loop3A_322, %parallel_loop3A_323], %parallel_loop3A_321 {strides = array<i32>} : memref<544x64xf32, #tpu.memory_space<vmem>>, vector<16xf32>,
    } {sc.loop_unroll_factor = 8 : i64, sc.parallel_access}
    %get3A_234 = arith.index_cast %add3A_228 : i32 to index
    %get3A_235 = tpu.vector_load %arg8[%get3A_234] {strides = array<i32>} : memref<160xi32, #tpu.memory_space<vmem>>, vector<16xi32>,
    %slice3A_236 = vector.extract_strided_slice %get3A_235 {offsets = [0], sizes = [1], strides = [1]} : vector<16xi32> to vector<1xi32>
    %squeeze3A_237 = vector.extract %slice3A_236[0] : i32 from vector<1xi32>
    %add3A_238 = arith.constant 1 : i32
    %add3A_239 = arith.addi %add3A_228, %add3A_238 : i32
    %get3A_240 = arith.index_cast %add3A_239 : i32 to index
    %get3A_241 = tpu.vector_load %arg8[%get3A_240] {strides = array<i32>} : memref<160xi32, #tpu.memory_space<vmem>>, vector<16xi32>,
    %slice3A_242 = vector.extract_strided_slice %get3A_241 {offsets = [0], sizes = [1], strides = [1]} : vector<16xi32> to vector<1xi32>
    %squeeze3A_243 = vector.extract %slice3A_242[0] : i32 from vector<1xi32>
    %jit3A_244 = arith.constant 512 : i32
    %div3A_245 = arith.divsi %squeeze3A_237, %jit3A_244 : i32
    %sign3A_246 = arith.constant 0 : i32
    %sign3A_247 = arith.cmpi sgt, %squeeze3A_237, %sign3A_246 : i32
    %sign3A_248 = arith.extui %sign3A_247 : i1 to i32
    %sign3A_249 = arith.constant 0 : i32
    %sign3A_250 = arith.cmpi slt, %squeeze3A_237, %sign3A_249 : i32
    %sign3A_251 = arith.extui %sign3A_250 : i1 to i32
    %sign3A_252 = arith.subi %sign3A_248, %sign3A_251 : i32
    %sign3A_253 = arith.constant 0 : i32
    %sign3A_254 = arith.cmpi sgt, %jit3A_244, %sign3A_253 : i32
    %sign3A_255 = arith.extui %sign3A_254 : i1 to i32
    %sign3A_256 = arith.constant 0 : i32
    %sign3A_257 = arith.cmpi slt, %jit3A_244, %sign3A_256 : i32
    %sign3A_258 = arith.extui %sign3A_257 : i1 to i32
    %sign3A_259 = arith.subi %sign3A_255, %sign3A_258 : i32
    %ne3A_260 = arith.cmpi ne, %sign3A_252, %sign3A_259 : i32
    %rem3A_261 = arith.remsi %squeeze3A_237, %jit3A_244 : i32
    %ne3A_262 = arith.constant 0 : i32
    %ne3A_263 = arith.cmpi ne, %rem3A_261, %ne3A_262 : i32
    %and3A_264 = arith.andi %ne3A_260, %ne3A_263 : i1
    %sub3A_265 = arith.constant 1 : i32
    %sub3A_266 = arith.subi %div3A_245, %sub3A_265 : i32
    %select_n3A_267 = arith.select %and3A_264, %sub3A_266, %div3A_245 : i32
    %add3A_268 = arith.constant 512 : i32
    %add3A_269 = arith.addi %squeeze3A_243, %add3A_268 : i32
    %sub3A_270 = arith.constant 1 : i32
    %sub3A_271 = arith.subi %add3A_269, %sub3A_270 : i32
    %jit3A_272 = arith.constant 512 : i32
    %div3A_273 = arith.divsi %sub3A_271, %jit3A_272 : i32
    %sign3A_274 = arith.constant 0 : i32
    %sign3A_275 = arith.cmpi sgt, %sub3A_271, %sign3A_274 : i32
    %sign3A_276 = arith.extui %sign3A_275 : i1 to i32
    %sign3A_277 = arith.constant 0 : i32
    %sign3A_278 = arith.cmpi slt, %sub3A_271, %sign3A_277 : i32
    %sign3A_279 = arith.extui %sign3A_278 : i1 to i32
    %sign3A_280 = arith.subi %sign3A_276, %sign3A_279 : i32
    %sign3A_281 = arith.constant 0 : i32
    %sign3A_282 = arith.cmpi sgt, %jit3A_272, %sign3A_281 : i32
    %sign3A_283 = arith.extui %sign3A_282 : i1 to i32
    %sign3A_284 = arith.constant 0 : i32
    %sign3A_285 = arith.cmpi slt, %jit3A_272, %sign3A_284 : i32
    %sign3A_286 = arith.extui %sign3A_285 : i1 to i32
    %sign3A_287 = arith.subi %sign3A_283, %sign3A_286 : i32
    %ne3A_288 = arith.cmpi ne, %sign3A_280, %sign3A_287 : i32
    %rem3A_289 = arith.remsi %sub3A_271, %jit3A_272 : i32
    %ne3A_290 = arith.constant 0 : i32
    %ne3A_291 = arith.cmpi ne, %rem3A_289, %ne3A_290 : i32
    %and3A_292 = arith.andi %ne3A_288, %ne3A_291 : i1
    %sub3A_293 = arith.constant 1 : i32
    %sub3A_294 = arith.subi %div3A_273, %sub3A_293 : i32
    %select_n3A_295 = arith.select %and3A_292, %sub3A_294, %div3A_273 : i32
    %while3A_296 = arith.subi %select_n3A_295, %select_n3A_267 : i32
    %while3A_297 = arith.addi %select_n3A_267, %while3A_296 : i32
    %while3A_298 = arith.constant 1 : i32
    %while3A_299 = arith.divsi %while3A_296, %while3A_298 : i32
    %while3A_300 = arith.muli %while3A_299, %while3A_298 : i32
    %while3A_301 = arith.addi %select_n3A_267, %while3A_300 : i32
    %while3A_302 = arith.constant 1 : i32
    scf.for %while3A_304 = %select_n3A_267 to %while3A_301 step %while3A_302  : i32 {
      %mul3A_305 = arith.constant 512 : i32
      %mul3A_306 = arith.muli %while3A_304, %mul3A_305 : i32
      %dma_start3A = tpu.memref_slice %arg4[%mul3A_306] : memref<2097152xi32, #tpu.memory_space<hbm>> -> memref<512xi32, #tpu.memory_space<hbm>>
      %dma_start3A_307 = tpu.memref_slice %arg4[%mul3A_306] : memref<2097152xi32, #tpu.memory_space<hbm>> -> memref<512xi32, #tpu.memory_space<hbm>>
      tpu.enqueue_dma source(%dma_start3A_307 : memref<512xi32, #tpu.memory_space<hbm>>) target(%arg9 : memref<512xi32, #tpu.memory_space<vmem>>) target_semaphore(%arg15 : memref<!tpu.dma_semaphore, #tpu.memory_space<semaphore_mem>>)
      %dma_start3A_308 = arith.constant 0 : i32
      %dma_start3A_309 = tpu.memref_slice %arg10[%dma_start3A_308] : memref<528xi32, #tpu.memory_space<vmem>> -> memref<512xi32, #tpu.memory_space<vmem>>
      %dma_start3A_310 = tpu.memref_slice %arg3[%mul3A_306] : memref<2097152xi32, #tpu.memory_space<hbm>> -> memref<512xi32, #tpu.memory_space<hbm>>
      %dma_start3A_311 = arith.constant 0 : i32
      %dma_start3A_312 = tpu.memref_slice %arg10[%dma_start3A_311] : memref<528xi32, #tpu.memory_space<vmem>> -> memref<512xi32, #tpu.memory_space<vmem>>
      %dma_start3A_313 = tpu.memref_slice %arg3[%mul3A_306] : memref<2097152xi32, #tpu.memory_space<hbm>> -> memref<512xi32, #tpu.memory_space<hbm>>
      tpu.enqueue_dma source(%dma_start3A_313 : memref<512xi32, #tpu.memory_space<hbm>>) target(%dma_start3A_312 : memref<512xi32, #tpu.memory_space<vmem>>) target_semaphore(%arg16 : memref<!tpu.dma_semaphore, #tpu.memory_space<semaphore_mem>>)
      %dma_start3A_314 = tpu.memref_slice %arg2[%mul3A_306] : memref<2097152xf32, #tpu.memory_space<hbm>> -> memref<512xf32, #tpu.memory_space<hbm>>
      %dma_start3A_315 = tpu.memref_slice %arg2[%mul3A_306] : memref<2097152xf32, #tpu.memory_space<hbm>> -> memref<512xf32, #tpu.memory_space<hbm>>
      tpu.enqueue_dma source(%dma_start3A_315 : memref<512xf32, #tpu.memory_space<hbm>>) target(%arg11 : memref<512xf32, #tpu.memory_space<vmem>>) target_semaphore(%arg17 : memref<!tpu.dma_semaphore, #tpu.memory_space<semaphore_mem>>)
      %dma_wait3A = tpu.memref_slice %arg4[%mul3A_306] : memref<2097152xi32, #tpu.memory_space<hbm>> -> memref<512xi32, #tpu.memory_space<hbm>>
      %dma_wait3A_316 = tpu.memref_slice %arg4[%mul3A_306] : memref<2097152xi32, #tpu.memory_space<hbm>> -> memref<512xi32, #tpu.memory_space<hbm>>
      tpu.wait_dma2 semaphore(%arg15 : memref<!tpu.dma_semaphore, #tpu.memory_space<semaphore_mem>>) src(%dma_wait3A_316 : memref<512xi32, #tpu.memory_space<hbm>>) dst(%arg9 : memref<512xi32, #tpu.memory_space<vmem>>)
      %dma_start3A_317 = arith.constant 0 : i32
      %dma_start3A_318 = arith.constant 0 : i32
      %dma_start3A_319 = tpu.memref_slice %arg5[%dma_start3A_317, %dma_start3A_318] : memref<65536x64xf32, #tpu.memory_space<hbm>> -> memref<65536x64xf32, #tpu.memory_space<hbm>>
      tpu.enqueue_indirect_dma source(%dma_start3A_319 : memref<65536x64xf32, #tpu.memory_space<hbm>>) target(%arg12 : memref<512x64xf32, #tpu.memory_space<vmem>>) offsets(%arg9 : memref<512xi32, #tpu.memory_space<vmem>>) semaphore(%arg14 : memref<!tpu.dma_semaphore, #tpu.memory_space<semaphore_mem>>)
      %dma_wait3A_320 = arith.constant 0 : i32
      %dma_wait3A_321 = tpu.memref_slice %arg10[%dma_wait3A_320] : memref<528xi32, #tpu.memory_space<vmem>> -> memref<512xi32, #tpu.memory_space<vmem>>
      %dma_wait3A_322 = tpu.memref_slice %arg3[%mul3A_306] : memref<2097152xi32, #tpu.memory_space<hbm>> -> memref<512xi32, #tpu.memory_space<hbm>>
      %dma_wait3A_323 = arith.constant 0 : i32
      %dma_wait3A_324 = tpu.memref_slice %arg10[%dma_wait3A_323] : memref<528xi32, #tpu.memory_space<vmem>> -> memref<512xi32, #tpu.memory_space<vmem>>
      %dma_wait3A_325 = tpu.memref_slice %arg3[%mul3A_306] : memref<2097152xi32, #tpu.memory_space<hbm>> -> memref<512xi32, #tpu.memory_space<hbm>>
      tpu.wait_dma2 semaphore(%arg16 : memref<!tpu.dma_semaphore, #tpu.memory_space<semaphore_mem>>) src(%dma_wait3A_325 : memref<512xi32, #tpu.memory_space<hbm>>) dst(%dma_wait3A_324 : memref<512xi32, #tpu.memory_space<vmem>>)
      %dma_wait3A_326 = tpu.memref_slice %arg2[%mul3A_306] : memref<2097152xf32, #tpu.memory_space<hbm>> -> memref<512xf32, #tpu.memory_space<hbm>>
      %dma_wait3A_327 = tpu.memref_slice %arg2[%mul3A_306] : memref<2097152xf32, #tpu.memory_space<hbm>> -> memref<512xf32, #tpu.memory_space<hbm>>
      tpu.wait_dma2 semaphore(%arg17 : memref<!tpu.dma_semaphore, #tpu.memory_space<semaphore_mem>>) src(%dma_wait3A_327 : memref<512xf32, #tpu.memory_space<hbm>>) dst(%arg11 : memref<512xf32, #tpu.memory_space<vmem>>)
      %dma_wait3A_328 = arith.constant 0 : i32
      %dma_wait3A_329 = arith.constant 0 : i32
      %dma_wait3A_330 = tpu.memref_slice %arg5[%dma_wait3A_328, %dma_wait3A_329] : memref<65536x64xf32, #tpu.memory_space<hbm>> -> memref<65536x64xf32, #tpu.memory_space<hbm>>
      tpu.wait_indirect_dma semaphore(%arg14 : memref<!tpu.dma_semaphore, #tpu.memory_space<semaphore_mem>>) src(%dma_wait3A_330 : memref<65536x64xf32, #tpu.memory_space<hbm>>) dst(%arg12 : memref<512x64xf32, #tpu.memory_space<vmem>>)
      %scan3A = arith.constant 0 : i32
      %scan3A_331 = arith.constant 512 : i32
      %scan3A_332 = arith.addi %scan3A, %scan3A_331 : i32
      %scan3A_333 = arith.constant 1 : i32
      scf.for %scan3A_335 = %scan3A to %scan3A_332 step %scan3A_333  : i32 {
        %get3A_336 = arith.index_cast %scan3A_335 : i32 to index
        %get3A_337 = tpu.vector_load %arg10[%get3A_336] {strides = array<i32>} : memref<528xi32, #tpu.memory_space<vmem>>, vector<16xi32>,
        %slice3A_338 = vector.extract_strided_slice %get3A_337 {offsets = [0], sizes = [1], strides = [1]} : vector<16xi32> to vector<1xi32>
        %squeeze3A_339 = vector.extract %slice3A_338[0] : i32 from vector<1xi32>
        %ge3A = arith.cmpi sge, %squeeze3A_339, %mul3A_230 : i32
        %add3A_340 = arith.constant 512 : i32
        %add3A_341 = arith.addi %mul3A_230, %add3A_340 : i32
        %lt3A = arith.cmpi slt, %squeeze3A_339, %add3A_341 : i32
        %and3A_342 = arith.andi %ge3A, %lt3A : i1
        %sub3A_343 = arith.subi %squeeze3A_339, %mul3A_230 : i32
        %jit3A_344 = arith.constant 512 : i32
        %select_n3A_345 = arith.select %and3A_342, %sub3A_343, %jit3A_344 : i32
        %broadcast_in_dim3A = vector.broadcast %scan3A_335 : i32 to vector<16xi32>
        %gather3A = tpu.vector_load_idx %arg11[%broadcast_in_dim3A] : memref<512xf32, #tpu.memory_space<vmem>>[vector<16xi32>], vector<16xf32>,
        %get3A_346 = arith.index_cast %scan3A_335 : i32 to index
        %get3A_347 = arith.constant 0 : index
        %get3A_348 = tpu.vector_load %arg12[%get3A_346, %get3A_347] {strides = array<i32>} : memref<512x64xf32, #tpu.memory_space<vmem>>, vector<16xf32>,
        %mul3A_349 = arith.mulf %get3A_348, %gather3A : vector<16xf32>
        %swap3A = arith.index_cast %select_n3A_345 : i32 to index
        %swap3A_350 = arith.constant 0 : index
        %swap3A_351 = tpu.vector_load %arg13[%swap3A, %swap3A_350] {strides = array<i32>} : memref<544x64xf32, #tpu.memory_space<vmem>>, vector<16xf32>,
        tpu.vector_store %arg13[%swap3A, %swap3A_350], %mul3A_349 {add = true, strides = array<i32>} : memref<544x64xf32, #tpu.memory_space<vmem>>, vector<16xf32>,
        %get3A_352 = arith.index_cast %scan3A_335 : i32 to index
        %get3A_353 = arith.constant 16 : index
        %get3A_354 = tpu.vector_load %arg12[%get3A_352, %get3A_353] {strides = array<i32>} : memref<512x64xf32, #tpu.memory_space<vmem>>, vector<16xf32>,
        %mul3A_355 = arith.mulf %get3A_354, %gather3A : vector<16xf32>
        %swap3A_356 = arith.index_cast %select_n3A_345 : i32 to index
        %swap3A_357 = arith.constant 16 : index
        %swap3A_358 = tpu.vector_load %arg13[%swap3A_356, %swap3A_357] {strides = array<i32>} : memref<544x64xf32, #tpu.memory_space<vmem>>, vector<16xf32>,
        tpu.vector_store %arg13[%swap3A_356, %swap3A_357], %mul3A_355 {add = true, strides = array<i32>} : memref<544x64xf32, #tpu.memory_space<vmem>>, vector<16xf32>,
        %get3A_359 = arith.index_cast %scan3A_335 : i32 to index
        %get3A_360 = arith.constant 32 : index
        %get3A_361 = tpu.vector_load %arg12[%get3A_359, %get3A_360] {strides = array<i32>} : memref<512x64xf32, #tpu.memory_space<vmem>>, vector<16xf32>,
        %mul3A_362 = arith.mulf %get3A_361, %gather3A : vector<16xf32>
        %swap3A_363 = arith.index_cast %select_n3A_345 : i32 to index
        %swap3A_364 = arith.constant 32 : index
        %swap3A_365 = tpu.vector_load %arg13[%swap3A_363, %swap3A_364] {strides = array<i32>} : memref<544x64xf32, #tpu.memory_space<vmem>>, vector<16xf32>,
        tpu.vector_store %arg13[%swap3A_363, %swap3A_364], %mul3A_362 {add = true, strides = array<i32>} : memref<544x64xf32, #tpu.memory_space<vmem>>, vector<16xf32>,
        %get3A_366 = arith.index_cast %scan3A_335 : i32 to index
        %get3A_367 = arith.constant 48 : index
        %get3A_368 = tpu.vector_load %arg12[%get3A_366, %get3A_367] {strides = array<i32>} : memref<512x64xf32, #tpu.memory_space<vmem>>, vector<16xf32>,
        %mul3A_369 = arith.mulf %get3A_368, %gather3A : vector<16xf32>
        %swap3A_370 = arith.index_cast %select_n3A_345 : i32 to index
        %swap3A_371 = arith.constant 48 : index
        %swap3A_372 = tpu.vector_load %arg13[%swap3A_370, %swap3A_371] {strides = array<i32>} : memref<544x64xf32, #tpu.memory_space<vmem>>, vector<16xf32>,
        tpu.vector_store %arg13[%swap3A_370, %swap3A_371], %mul3A_369 {add = true, strides = array<i32>} : memref<544x64xf32, #tpu.memory_space<vmem>>, vector<16xf32>,
      }
      %scan3A_334 = arith.constant 512 : i32
    }
    %while3A_303 = arith.constant 1 : i32
    scf.for %while3A_304 = %while3A_301 to %while3A_297 step %while3A_303  : i32 {
      %mul3A_305 = arith.constant 512 : i32
      %mul3A_306 = arith.muli %while3A_304, %mul3A_305 : i32
      %dma_start3A = tpu.memref_slice %arg4[%mul3A_306] : memref<2097152xi32, #tpu.memory_space<hbm>> -> memref<512xi32, #tpu.memory_space<hbm>>
      %dma_start3A_307 = tpu.memref_slice %arg4[%mul3A_306] : memref<2097152xi32, #tpu.memory_space<hbm>> -> memref<512xi32, #tpu.memory_space<hbm>>
      tpu.enqueue_dma source(%dma_start3A_307 : memref<512xi32, #tpu.memory_space<hbm>>) target(%arg9 : memref<512xi32, #tpu.memory_space<vmem>>) target_semaphore(%arg15 : memref<!tpu.dma_semaphore, #tpu.memory_space<semaphore_mem>>)
      %dma_start3A_308 = arith.constant 0 : i32
      %dma_start3A_309 = tpu.memref_slice %arg10[%dma_start3A_308] : memref<528xi32, #tpu.memory_space<vmem>> -> memref<512xi32, #tpu.memory_space<vmem>>
      %dma_start3A_310 = tpu.memref_slice %arg3[%mul3A_306] : memref<2097152xi32, #tpu.memory_space<hbm>> -> memref<512xi32, #tpu.memory_space<hbm>>
      %dma_start3A_311 = arith.constant 0 : i32
      %dma_start3A_312 = tpu.memref_slice %arg10[%dma_start3A_311] : memref<528xi32, #tpu.memory_space<vmem>> -> memref<512xi32, #tpu.memory_space<vmem>>
      %dma_start3A_313 = tpu.memref_slice %arg3[%mul3A_306] : memref<2097152xi32, #tpu.memory_space<hbm>> -> memref<512xi32, #tpu.memory_space<hbm>>
      tpu.enqueue_dma source(%dma_start3A_313 : memref<512xi32, #tpu.memory_space<hbm>>) target(%dma_start3A_312 : memref<512xi32, #tpu.memory_space<vmem>>) target_semaphore(%arg16 : memref<!tpu.dma_semaphore, #tpu.memory_space<semaphore_mem>>)
      %dma_start3A_314 = tpu.memref_slice %arg2[%mul3A_306] : memref<2097152xf32, #tpu.memory_space<hbm>> -> memref<512xf32, #tpu.memory_space<hbm>>
      %dma_start3A_315 = tpu.memref_slice %arg2[%mul3A_306] : memref<2097152xf32, #tpu.memory_space<hbm>> -> memref<512xf32, #tpu.memory_space<hbm>>
      tpu.enqueue_dma source(%dma_start3A_315 : memref<512xf32, #tpu.memory_space<hbm>>) target(%arg11 : memref<512xf32, #tpu.memory_space<vmem>>) target_semaphore(%arg17 : memref<!tpu.dma_semaphore, #tpu.memory_space<semaphore_mem>>)
      %dma_wait3A = tpu.memref_slice %arg4[%mul3A_306] : memref<2097152xi32, #tpu.memory_space<hbm>> -> memref<512xi32, #tpu.memory_space<hbm>>
      %dma_wait3A_316 = tpu.memref_slice %arg4[%mul3A_306] : memref<2097152xi32, #tpu.memory_space<hbm>> -> memref<512xi32, #tpu.memory_space<hbm>>
      tpu.wait_dma2 semaphore(%arg15 : memref<!tpu.dma_semaphore, #tpu.memory_space<semaphore_mem>>) src(%dma_wait3A_316 : memref<512xi32, #tpu.memory_space<hbm>>) dst(%arg9 : memref<512xi32, #tpu.memory_space<vmem>>)
      %dma_start3A_317 = arith.constant 0 : i32
      %dma_start3A_318 = arith.constant 0 : i32
      %dma_start3A_319 = tpu.memref_slice %arg5[%dma_start3A_317, %dma_start3A_318] : memref<65536x64xf32, #tpu.memory_space<hbm>> -> memref<65536x64xf32, #tpu.memory_space<hbm>>
      tpu.enqueue_indirect_dma source(%dma_start3A_319 : memref<65536x64xf32, #tpu.memory_space<hbm>>) target(%arg12 : memref<512x64xf32, #tpu.memory_space<vmem>>) offsets(%arg9 : memref<512xi32, #tpu.memory_space<vmem>>) semaphore(%arg14 : memref<!tpu.dma_semaphore, #tpu.memory_space<semaphore_mem>>)
      %dma_wait3A_320 = arith.constant 0 : i32
      %dma_wait3A_321 = tpu.memref_slice %arg10[%dma_wait3A_320] : memref<528xi32, #tpu.memory_space<vmem>> -> memref<512xi32, #tpu.memory_space<vmem>>
      %dma_wait3A_322 = tpu.memref_slice %arg3[%mul3A_306] : memref<2097152xi32, #tpu.memory_space<hbm>> -> memref<512xi32, #tpu.memory_space<hbm>>
      %dma_wait3A_323 = arith.constant 0 : i32
      %dma_wait3A_324 = tpu.memref_slice %arg10[%dma_wait3A_323] : memref<528xi32, #tpu.memory_space<vmem>> -> memref<512xi32, #tpu.memory_space<vmem>>
      %dma_wait3A_325 = tpu.memref_slice %arg3[%mul3A_306] : memref<2097152xi32, #tpu.memory_space<hbm>> -> memref<512xi32, #tpu.memory_space<hbm>>
      tpu.wait_dma2 semaphore(%arg16 : memref<!tpu.dma_semaphore, #tpu.memory_space<semaphore_mem>>) src(%dma_wait3A_325 : memref<512xi32, #tpu.memory_space<hbm>>) dst(%dma_wait3A_324 : memref<512xi32, #tpu.memory_space<vmem>>)
      %dma_wait3A_326 = tpu.memref_slice %arg2[%mul3A_306] : memref<2097152xf32, #tpu.memory_space<hbm>> -> memref<512xf32, #tpu.memory_space<hbm>>
      %dma_wait3A_327 = tpu.memref_slice %arg2[%mul3A_306] : memref<2097152xf32, #tpu.memory_space<hbm>> -> memref<512xf32, #tpu.memory_space<hbm>>
      tpu.wait_dma2 semaphore(%arg17 : memref<!tpu.dma_semaphore, #tpu.memory_space<semaphore_mem>>) src(%dma_wait3A_327 : memref<512xf32, #tpu.memory_space<hbm>>) dst(%arg11 : memref<512xf32, #tpu.memory_space<vmem>>)
      %dma_wait3A_328 = arith.constant 0 : i32
      %dma_wait3A_329 = arith.constant 0 : i32
      %dma_wait3A_330 = tpu.memref_slice %arg5[%dma_wait3A_328, %dma_wait3A_329] : memref<65536x64xf32, #tpu.memory_space<hbm>> -> memref<65536x64xf32, #tpu.memory_space<hbm>>
      tpu.wait_indirect_dma semaphore(%arg14 : memref<!tpu.dma_semaphore, #tpu.memory_space<semaphore_mem>>) src(%dma_wait3A_330 : memref<65536x64xf32, #tpu.memory_space<hbm>>) dst(%arg12 : memref<512x64xf32, #tpu.memory_space<vmem>>)
      %scan3A = arith.constant 0 : i32
      %scan3A_331 = arith.constant 512 : i32
      %scan3A_332 = arith.addi %scan3A, %scan3A_331 : i32
      %scan3A_333 = arith.constant 1 : i32
      scf.for %scan3A_335 = %scan3A to %scan3A_332 step %scan3A_333  : i32 {
        %get3A_336 = arith.index_cast %scan3A_335 : i32 to index
        %get3A_337 = tpu.vector_load %arg10[%get3A_336] {strides = array<i32>} : memref<528xi32, #tpu.memory_space<vmem>>, vector<16xi32>,
        %slice3A_338 = vector.extract_strided_slice %get3A_337 {offsets = [0], sizes = [1], strides = [1]} : vector<16xi32> to vector<1xi32>
        %squeeze3A_339 = vector.extract %slice3A_338[0] : i32 from vector<1xi32>
        %ge3A = arith.cmpi sge, %squeeze3A_339, %mul3A_230 : i32
        %add3A_340 = arith.constant 512 : i32
        %add3A_341 = arith.addi %mul3A_230, %add3A_340 : i32
        %lt3A = arith.cmpi slt, %squeeze3A_339, %add3A_341 : i32
        %and3A_342 = arith.andi %ge3A, %lt3A : i1
        %sub3A_343 = arith.subi %squeeze3A_339, %mul3A_230 : i32
        %jit3A_344 = arith.constant 512 : i32
        %select_n3A_345 = arith.select %and3A_342, %sub3A_343, %jit3A_344 : i32
        %broadcast_in_dim3A = vector.broadcast %scan3A_335 : i32 to vector<16xi32>
        %gather3A = tpu.vector_load_idx %arg11[%broadcast_in_dim3A] : memref<512xf32, #tpu.memory_space<vmem>>[vector<16xi32>], vector<16xf32>,
        %get3A_346 = arith.index_cast %scan3A_335 : i32 to index
        %get3A_347 = arith.constant 0 : index
        %get3A_348 = tpu.vector_load %arg12[%get3A_346, %get3A_347] {strides = array<i32>} : memref<512x64xf32, #tpu.memory_space<vmem>>, vector<16xf32>,
        %mul3A_349 = arith.mulf %get3A_348, %gather3A : vector<16xf32>
        %swap3A = arith.index_cast %select_n3A_345 : i32 to index
        %swap3A_350 = arith.constant 0 : index
        %swap3A_351 = tpu.vector_load %arg13[%swap3A, %swap3A_350] {strides = array<i32>} : memref<544x64xf32, #tpu.memory_space<vmem>>, vector<16xf32>,
        tpu.vector_store %arg13[%swap3A, %swap3A_350], %mul3A_349 {add = true, strides = array<i32>} : memref<544x64xf32, #tpu.memory_space<vmem>>, vector<16xf32>,
        %get3A_352 = arith.index_cast %scan3A_335 : i32 to index
        %get3A_353 = arith.constant 16 : index
        %get3A_354 = tpu.vector_load %arg12[%get3A_352, %get3A_353] {strides = array<i32>} : memref<512x64xf32, #tpu.memory_space<vmem>>, vector<16xf32>,
        %mul3A_355 = arith.mulf %get3A_354, %gather3A : vector<16xf32>
        %swap3A_356 = arith.index_cast %select_n3A_345 : i32 to index
        %swap3A_357 = arith.constant 16 : index
        %swap3A_358 = tpu.vector_load %arg13[%swap3A_356, %swap3A_357] {strides = array<i32>} : memref<544x64xf32, #tpu.memory_space<vmem>>, vector<16xf32>,
        tpu.vector_store %arg13[%swap3A_356, %swap3A_357], %mul3A_355 {add = true, strides = array<i32>} : memref<544x64xf32, #tpu.memory_space<vmem>>, vector<16xf32>,
        %get3A_359 = arith.index_cast %scan3A_335 : i32 to index
        %get3A_360 = arith.constant 32 : index
        %get3A_361 = tpu.vector_load %arg12[%get3A_359, %get3A_360] {strides = array<i32>} : memref<512x64xf32, #tpu.memory_space<vmem>>, vector<16xf32>,
        %mul3A_362 = arith.mulf %get3A_361, %gather3A : vector<16xf32>
        %swap3A_363 = arith.index_cast %select_n3A_345 : i32 to index
        %swap3A_364 = arith.constant 32 : index
        %swap3A_365 = tpu.vector_load %arg13[%swap3A_363, %swap3A_364] {strides = array<i32>} : memref<544x64xf32, #tpu.memory_space<vmem>>, vector<16xf32>,
        tpu.vector_store %arg13[%swap3A_363, %swap3A_364], %mul3A_362 {add = true, strides = array<i32>} : memref<544x64xf32, #tpu.memory_space<vmem>>, vector<16xf32>,
        %get3A_366 = arith.index_cast %scan3A_335 : i32 to index
        %get3A_367 = arith.constant 48 : index
        %get3A_368 = tpu.vector_load %arg12[%get3A_366, %get3A_367] {strides = array<i32>} : memref<512x64xf32, #tpu.memory_space<vmem>>, vector<16xf32>,
        %mul3A_369 = arith.mulf %get3A_368, %gather3A : vector<16xf32>
        %swap3A_370 = arith.index_cast %select_n3A_345 : i32 to index
        %swap3A_371 = arith.constant 48 : index
        %swap3A_372 = tpu.vector_load %arg13[%swap3A_370, %swap3A_371] {strides = array<i32>} : memref<544x64xf32, #tpu.memory_space<vmem>>, vector<16xf32>,
        tpu.vector_store %arg13[%swap3A_370, %swap3A_371], %mul3A_369 {add = true, strides = array<i32>} : memref<544x64xf32, #tpu.memory_space<vmem>>, vector<16xf32>,
      }
      %scan3A_334 = arith.constant 512 : i32
    }
    "tpu.region"() ({
      %run_scoped3A = tpu.sem_alloc : memref<!tpu.dma_semaphore, #tpu.memory_space<semaphore_mem>>
      %dma_start3A = arith.constant 0 : i32
      %dma_start3A_304 = arith.constant 0 : i32
      %dma_start3A_305 = tpu.memref_slice %arg13[%dma_start3A, %dma_start3A_304] : memref<544x64xf32, #tpu.memory_space<vmem>> -> memref<512x64xf32, #tpu.memory_space<vmem>>
      %dma_start3A_306 = arith.constant 0 : i32
      %dma_start3A_307 = tpu.memref_slice %arg7[%mul3A_230, %dma_start3A_306] : memref<65536x64xf32, #tpu.memory_space<hbm>> -> memref<512x64xf32, #tpu.memory_space<hbm>>
      %dma_start3A_308 = arith.constant 0 : i32
      %dma_start3A_309 = tpu.memref_slice %arg7[%mul3A_230, %dma_start3A_308] : memref<65536x64xf32, #tpu.memory_space<hbm>> -> memref<512x64xf32, #tpu.memory_space<hbm>>
      %dma_start3A_310 = arith.constant 0 : i32
      %dma_start3A_311 = arith.constant 0 : i32
      %dma_start3A_312 = tpu.memref_slice %arg13[%dma_start3A_310, %dma_start3A_311] : memref<544x64xf32, #tpu.memory_space<vmem>> -> memref<512x64xf32, #tpu.memory_space<vmem>>
      tpu.enqueue_dma source(%dma_start3A_312 : memref<512x64xf32, #tpu.memory_space<vmem>>) target(%dma_start3A_309 : memref<512x64xf32, #tpu.memory_space<hbm>>) target_semaphore(%run_scoped3A : memref<!tpu.dma_semaphore, #tpu.memory_space<semaphore_mem>>)
      %dma_wait3A = arith.constant 0 : i32
      %dma_wait3A_313 = arith.constant 0 : i32
      %dma_wait3A_314 = tpu.memref_slice %arg13[%dma_wait3A, %dma_wait3A_313] : memref<544x64xf32, #tpu.memory_space<vmem>> -> memref<512x64xf32, #tpu.memory_space<vmem>>
      %dma_wait3A_315 = arith.constant 0 : i32
      %dma_wait3A_316 = tpu.memref_slice %arg7[%mul3A_230, %dma_wait3A_315] : memref<65536x64xf32, #tpu.memory_space<hbm>> -> memref<512x64xf32, #tpu.memory_space<hbm>>
      %dma_wait3A_317 = arith.constant 0 : i32
      %dma_wait3A_318 = tpu.memref_slice %arg7[%mul3A_230, %dma_wait3A_317] : memref<65536x64xf32, #tpu.memory_space<hbm>> -> memref<512x64xf32, #tpu.memory_space<hbm>>
      %dma_wait3A_319 = arith.constant 0 : i32
      %dma_wait3A_320 = arith.constant 0 : i32
      %dma_wait3A_321 = tpu.memref_slice %arg13[%dma_wait3A_319, %dma_wait3A_320] : memref<544x64xf32, #tpu.memory_space<vmem>> -> memref<512x64xf32, #tpu.memory_space<vmem>>
      tpu.wait_dma2 semaphore(%run_scoped3A : memref<!tpu.dma_semaphore, #tpu.memory_space<semaphore_mem>>) src(%dma_wait3A_321 : memref<512x64xf32, #tpu.memory_space<vmem>>) dst(%dma_wait3A_318 : memref<512x64xf32, #tpu.memory_space<hbm>>)
      tpu.yield
    }) : () -> ()
    return
  }
}

</mosaic_0001>

<sc_bundles>
// kernel: kernel.3.cloned.1.call-start
scs
__scs_entry_jumppad:
0x0: {  	(pc) =	sbr.rel $0x88, $3  }
0x1: {  	(tag) =	ssettag $0x0;
	lr =	simm.s32 $0x1  }
0x2: {  	[smem:$0x3F9D] =	sst lr;
	_ =	strace $0xD0000000  }
0x3: {  	_ = 	snop  }
0x4: {  	_ = 	snop  }
0x5: {  	_ = 	snop  }
0x6: {  	_ = 	snop  }
0x7: {  	_ = 	snop  }
__scs_overlays_trampoline_lowered:
0x8: {  	[smem:$0x3FAC] =	sst s0  }
0x9: {  	[smem:$0x3FAD] =	sst s1  }
0xa: {  	[smem:$0x3FAE] =	sst s2  }
0xb: {  	[smem:$0x3FAF] =	sst s3  }
0xc: {  	[smem:$0x3FB0] =	sst s4  }
0xd: {  	[smem:$0x3FB1] =	sst s5  }
0xe: {  	[smem:$0x3FB2] =	sst s6  }
0xf: {  	[smem:$0x3FB3] =	sst s7  }
0x10: {  	[smem:$0x3FB4] =	sst s8  }
0x11: {  	[smem:$0x3FB5] =	sst s9;
	s0 =	simm.s32 @!p0 $0x0  }
0x12: {  	s1 =	sld [smem:$0x3F9B];
	s0 =	simm.s32 @p0 $0x1  }
0x13: {  	[smem:$0x3FB6] =	sst s0;
	s0 =	simm.s32 @!p1 $0x0  }
0x14: {  	s2 =	sld [smem:$0x3F9A];
	s0 =	simm.s32 @p1 $0x1  }
0x15: {  	[smem:$0x3FB7] =	sst s0;
	s0 =	simm.s32 @!p2 $0x0  }
0x16: {  	s3 =	sld [smem:$0x3FDB];
	s0 =	simm.s32 @p2 $0x1  }
0x17: {  	s4 =	simm.s32 $0x1BF5;
	[smem:$0x3FB9] =	sst s0  }
0x18: {  	s0 =	sld [smem:$0x3F9C];
	_ =	swait.ge [sflag:s4], $0x0  }
0x19: {  	s7 =	sld [smem:$0x3F9D]  }
0x1a: {  	s8 =	sadd.s32 $0xFFFFE003, lr  }
0x1b: {  	s9 =	sadd.s32 $0xFFFFFEF7, lr;
	s5 =	simm.s32 $0xFFFFFFFF;
	p2 =	slt.u32 s8, $0xFFFFF086  }
0x1c: {  	p1 =	slt.u32 s9, $0xF7A;
	s5 =	simm.s32 @!p2 $0x0  }
0x1d: {  	s5 =	simm.s32 @p1 $0x1;
	p0 =	seq.s32 s7, s2  }
0x1e: {  	s7 =	smul.u32 @!p0 $0xF7A, s2;
	p2 =	seq.s32 @!p0 s5, $0x0  }
0x1f: {  	s9 =	smul.u32 $0xF7A, s1;
	s8 =	simm.s32 @!p0 $0x1BF5;
	p2 =	por !p2, p0  }
0x20: {  	[sflag:s8] =	ssyncset.s32 @!p0 $0xFFFFF086;
	s6 =	sadd.s32 @!p0 s3, s7;
	s7 =	simm.s32 @!p0 $0x108  }
0x21: {  	s3 =	sadd.s32 s3, s9;
	s6 =	sadd.s32 @!p0 $0x88, s6;
	s7 =	simm.s32 @p2 $0x1082  }
0x22: {  	[simem:s7], [sflag:s8] =	dma.local @!p0 [hbm:s6], $0xF7A  }
0x23: {  	s9 =	sor.u32 $0xD0000000, s2;
	s6 =	simm.s32 $0x108;
	_ =	swait.ge @!p0 [sflag:s8], $0x0  }
0x24: {  	s3 =	sadd.s32 $0x88, s3;
	s6 =	simm.s32 @!p1 $0x1082;
	[sflag:s4] =	ssyncset.s32 $0xFFFFF086  }
0x25: {  	[simem:s6], [sflag:s4] =	dma.local [hbm:s3], $0xF7A  }
0x26: {  	[smem:$0x3F9D] =	sst s1;
	(tag) =	ssettag s2;
	_ =	strace s9  }
0x27: {  	s1 =	sld [smem:$0x3FAD]  }
0x28: {  	s2 =	sld [smem:$0x3FAE]  }
0x29: {  	s4 =	sld [smem:$0x3FB0]  }
0x2a: {  	p0 =	seq.s32 s5, $0x0;
	s5 =	sld [smem:$0x3FB1]  }
0x2b: {  	s6 =	sld [smem:$0x3FB2]  }
0x2c: {  	s7 =	sld [smem:$0x3FB3]  }
0x2d: {  	s3 =	simm.s32 $0x108;
	s8 =	sld [smem:$0x3FB4]  }
0x2e: {  	s3 =	simm.s32 @!p0 $0x1082;
	s9 =	sld [smem:$0x3FB5]  }
0x2f: {  	lr =	sadd.s32 s0, s3;
	s0 =	sld [smem:$0x3FAC]  }
0x30: {  	s3 =	sld [smem:$0x3FAF]  }
0x31: {  	[smem:$0x3FB8] =	sst s10  }
0x32: {  	s10 =	sld [smem:$0x3FB6];
	_ =	sdelay $0x3  }
0x33: {  	p0 =	seq.s32 s10, $0x1;
	s10 =	sld [smem:$0x3FB8];
	_ =	sdelay $0x3  }
0x34: {  	[smem:$0x3FB8] =	sst s10  }
0x35: {  	s10 =	sld [smem:$0x3FB7];
	_ =	sdelay $0x3  }
0x36: {  	p1 =	seq.s32 s10, $0x1;
	s10 =	sld [smem:$0x3FB8];
	_ =	sdelay $0x3  }
0x37: {  	[smem:$0x3FB8] =	sst s10  }
0x38: {  	s10 =	sld [smem:$0x3FB9]  }
0x39: {  	_ = 	snop;
	(pc) =	sbr.ind lr, $3  }
0x3a: {  	_ = 	snop  }
0x3b: {  	_ = 	snop  }
0x3c: {  	p2 =	seq.s32 s10, $0x1;
	s10 =	sld [smem:$0x3FB8]  }
0x3d: {  	_ =	shalt  }
0x3e: {  	_ =	shalt  }
0x3f: {  	_ =	shalt  }
0x40: {  	_ =	shalt  }
0x41: {  	_ =	shalt  }
0x42: {  	_ =	shalt  }
0x43: {  	_ =	shalt  }
0x44: {  	_ =	shalt  }
0x45: {  	_ =	shalt  }
0x46: {  	_ =	shalt  }
0x47: {  	_ =	shalt  }
0x48: {  	_ =	shalt  }
0x49: {  	_ =	shalt  }
0x4a: {  	_ =	shalt  }
0x4b: {  	_ =	shalt  }
0x4c: {  	_ =	shalt  }
0x4d: {  	_ =	shalt  }
0x4e: {  	_ =	shalt  }
0x4f: {  	_ =	shalt  }
0x50: {  	_ =	shalt  }
0x51: {  	_ =	shalt  }
0x52: {  	_ =	shalt  }
0x53: {  	_ =	shalt  }
0x54: {  	_ =	shalt  }
0x55: {  	_ =	shalt  }
0x56: {  	_ =	shalt  }
0x57: {  	_ =	shalt  }
0x58: {  	_ =	shalt  }
0x59: {  	_ =	shalt  }
0x5a: {  	_ =	shalt  }
0x5b: {  	_ =	shalt  }
0x5c: {  	_ =	shalt  }
0x5d: {  	_ =	shalt  }
0x5e: {  	_ =	shalt  }
0x5f: {  	_ =	shalt  }
0x60: {  	_ =	shalt  }
0x61: {  	_ =	shalt  }
0x62: {  	_ =	shalt  }
0x63: {  	_ =	shalt  }
0x64: {  	_ =	shalt  }
0x65: {  	_ =	shalt  }
0x66: {  	_ =	shalt  }
0x67: {  	_ =	shalt  }
0x68: {  	_ =	shalt  }
0x69: {  	_ =	shalt  }
0x6a: {  	_ =	shalt  }
0x6b: {  	_ =	shalt  }
0x6c: {  	_ =	shalt  }
0x6d: {  	_ =	shalt  }
0x6e: {  	_ =	shalt  }
0x6f: {  	_ =	shalt  }
0x70: {  	_ =	shalt  }
0x71: {  	_ =	shalt  }
0x72: {  	_ =	shalt  }
0x73: {  	_ =	shalt  }
0x74: {  	_ =	shalt  }
0x75: {  	_ =	shalt  }
0x76: {  	_ =	shalt  }
0x77: {  	_ =	shalt  }
0x78: {  	_ =	shalt  }
0x79: {  	_ =	shalt  }
0x7a: {  	_ =	shalt  }
0x7b: {  	_ =	shalt  }
0x7c: {  	_ =	shalt  }
0x7d: {  	_ =	shalt  }
0x7e: {  	_ =	shalt  }
0x7f: {  	_ =	shalt  }
0x80: {  	_ =	shalt  }
0x81: {  	_ =	shalt  }
0x82: {  	_ =	shalt  }
0x83: {  	_ =	shalt  }
0x84: {  	_ =	shalt  }
0x85: {  	_ =	shalt  }
0x86: {  	_ =	shalt  }
0x87: {  	_ =	shalt  }
.Lfunc_end0:
.L_simem_size_0:
called_computation_lowered:
.L_overlay_start_0:
0x88: {  	s2 =	sld [smem:$0x3FD9]  }
0x89: {  	s3 =	sld [smem:$0x3FFE];
	_ =	sdelay $0x1  }
0x8a: {  	s1 =	srdreg.scid  }
0x8b: {  	s0 =	sand.u32 $0x1, s1  }
0x8c: {  	s17 =	sshll.u32 s0, $0xA;
	s2 =	sadd.s32 s3, s2  }
0x8d: {  	s2 =	sadd.s32 s2, s17  }
0x8e: {  	[smem:$0x3FC4] =	sst s2  }
0x8f: {  	_ = 	snop  }
0x90: {  	s2 =	sld [smem:$0x3FC9]  }
0x91: {  	s18 =	sld [smem:$0x3FC8]  }
0x92: {  	s4 =	sld [smem:$0x3FC7]  }
0x93: {  	s5 =	sld [smem:$0x3FD0];
	(tm) =	ssettm $0x1  }
0x94: {  	s6 =	sld [smem:$0x3FFB];
	_ =	sdelay $0x3  }
0x95: {  	_ =	strace s6  }
0x96: {  	s6 =	sld [smem:$0x3FFC];
	_ =	sdelay $0x3  }
0x97: {  	_ =	strace s6  }
0x98: {  	s6 =	sld [smem:$0x3FFD];
	_ =	sdelay $0x3  }
0x99: {  	_ =	strace s6  }
0x9a: {  	_ =	strace $0x8FFFFFFF  }
0x9b: {  	s19 =	sld [smem:$0x3FDB];
	_ =	sdelay $0x1  }
0x9c: {  	s7 =	simm.s32 $_scs_section_size  }
0x9d: {  	s8 =	simm.s32 $_size__tile_overlayer_lowered;
	s9 =	simm.s32 $_tile_overlayer_lowered  }
0x9e: {  	s22 =	simm.s32 $0x1BFF;
	s21 =	sshll.u32 s9, $0x1;
	s6 =	sadd.s32 s7, s19  }
0x9f: {  	s10 =	simm.s32 $0x0;
	s20 =	sshll.u32 s8, $0x1;
	s8 =	sadd.s32 s21, s6  }
0xa0: {  	[timem:s10], [sflag:s22] =	dma.local [hbm:s8], s20  }
0xa1: {  	_ =	swait.ge [sflag:s22], s20  }
0xa2: {  	s7 =	ssub.s32 $0x0, s20;
	[sflag:s22] =	ssyncset.done $0x0  }
0xa3: {  	[sflag:s22] =	ssyncadd.s32 s7;
	_ =	sdelay $0x1  }
0xa4: {  	s23 =	simm.s32 $0x1B8B  }
0xa5: {  	_ =	swait.ge [sflag:s23], $0x1  }
0xa6: {  	[sflag:s23] =	ssyncset.done $0x0  }
0xa7: {  	s25 =	simm.s32 $0x1B8E;
	s24 =	sld [smem:$0x3FFE];
	[sflag:s23] =	ssyncadd.s32 $0xFFFFFFFF  }
0xa8: {  	s26 =	simm.s32 $execute0_lowered;
	[smem:$0x3FD2] =	sst s25  }
0xa9: {  	s8 =	sshll.u32 s26, $0x1;
	_ =	strace $0x80000046;
	[dreg:$0x1] =	wrdreg $0xFFFFFFFF  }
0xaa: {  	s28 =	simm.s32 $_size_execute0_lowered;
	s6 =	sadd.s32 s6, s8;
	[dreg:$0x0] =	wrdreg $0x0  }
0xab: {  	s8 =	sshll.u32 s28, $0x1;
	[dreg:$0x2] =	wrdreg s6  }
0xac: {  	[dreg:$0x3] =	wrdreg s8  }
0xad: {  	[dreg:$0x4] =	wrdreg $0xC0  }
0xae: {  	_ =	task [dreg:s10], $0x5FFFF  }
0xaf: {  	[dreg:$0x1] =	wrdreg $0xFFFFFFFF  }
0xb0: {  	[dreg:$0x0] =	wrdreg $0x60  }
0xb1: {  	[dreg:$0x2] =	wrdreg s2  }
0xb2: {  	[dreg:$0x3] =	wrdreg s18  }
0xb3: {  	[dreg:$0x4] =	wrdreg s4  }
0xb4: {  	[dreg:$0x5] =	wrdreg s5  }
0xb5: {  	[dreg:$0x6] =	wrdreg s24  }
0xb6: {  	[dreg:$0x7] =	wrdreg $0x9  }
0xb7: {  	_ =	task.clear_ibuf [dreg:s10], $0x8FFFF;
	_ =	strace $0x90000046  }
0xb8: {  	s29 =	simm.s32 $0x9;
	_ =	strace $0x80000048  }
0xb9: {  	_ =	swait.ge [sflag:s29], $0x1  }
0xba: {  	[sflag:s29] =	ssyncadd.s32 $0xFFFFFFFF  }
0xbb: {  	_ =	strace $0x90000048  }
0xbc: {  	_ =	sfence  }
0xbd: {  	s30 =	sld [smem:$0x0];
	_ =	sdelay $0x2  }
0xbe: {  	s31 =	sshll.u32 s1, $0xD;
	s1 =	sshrl.u32 s1, $0x2  }
0xbf: {  	s3 =	sand.u32 $0x4000, s31;
	s1 =	sadd.s32 s1, s30  }
0xc0: {  	s0 =	sor.u32 s3, s0;
	s1 =	sshll.u32 s1, $0x11  }
0xc1: {  	s0 =	sor.u32 s1, s0  }
0xc2: {  	s0 =	sadd.s32 $0x8F2B, s0  }
0xc3: {  	[sflag:s0] =	ssyncadd.remote.s32 $0x1  }
0xc4: {  	_ =	sfence.sel $0xFFFF  }
0xc5: {  	[dreg:$0x0] =	wrdreg $0xFFFFFFFF;
	(pc) =	sbr.abs _section_cstart, $3  }
0xc6: {  	[dreg:$0x1] =	wrdreg $0xFFFFFFFF  }
0xc7: {  	_ =	task.clear_ibuf [dreg:s10], $0x2FFFF;
	_ =	strace $0x9FFFFFFF  }
0xc8: {  	(tm) =	ssettm $0x7FFFFFFF  }
0xc9: {  	_ =	shalt  }
tec
execute0_lowered:
.L_overlay_start_1:
0x0: {  	(tag) =	ssettag $0x1  }
0x1: {  	s1 =	rddreg [dreg:$0x0]  }
0x2: {  	s2 =	rddreg [dreg:$0x1]  }
0x3: {  	s3 =	rddreg [dreg:$0x2]  }
0x4: {  	s4 =	rddreg [dreg:$0x3]  }
0x5: {  	s0 =	rddreg [dreg:$0x4];
	s6 =	simm.s32 $0x0  }
0x6: {  	s5 =	srdreg.scid;
	s8 =	stileid.u32;
	s28 =	simm.s32 $0x4B0  }
0x7: {  	s29 =	simm.s32 $0x2;
	s30 =	simm.s32 $0x200;
	s31 =	simm.s32 $0x6B0  }
0x8: {  	[smem:$0x7FF] =	sst s6;
	s5 =	sand.u32 $0x1, s5;
	s8 =	sshll.u32 s8, $0x1  }
0x9: {  	s9 =	sadd.s32 $0x800, s0;
	s0 =	sadd.s32 $0xA00, s0;
	_ =	strace $0x80000047  }
0xa: {  	s7 =	ssub.s32 $0x2, s5;
	[dreg:$0x6] =	wrdreg s9;
	s5 =	sor.u32 s5, s8  }
0xb: {  	s22 =	sshrl.u32 s7, $0x1;
	s8 =	sshll.u32 s5, $0x2;
	s9 =	sshll.u32 s5, $0xB  }
0xc: {  	s5 =	sshll.u32 s5, $0xE;
	s7 =	ssub.s32 s7, s22;
	s10 =	sor.u32 $0x1, s8  }
0xd: {  	s11 =	sor.u32 $0x200, s9;
	s5 =	sadd.s32 s0, s5;
	s12 =	sor.u32 $0x2, s8  }
0xe: {  	s18 =	sor.u32 $0x600, s9;
	s21 =	sadd.s32 $0x800, s9;
	[dreg:$0x8] =	wrdreg s5  }
0xf: {  	s13 =	sshll.u32 s10, $0x9;
	[dreg:$0x7] =	wrdreg s10;
	s23 =	sshll.u32 s10, $0xC  }
0x10: {  	s17 =	sshll.u32 s12, $0x9;
	[dreg:$0x9] =	wrdreg s12;
	s24 =	sshll.u32 s12, $0xC  }
0x11: {  	s25 =	sshll.u32 s18, $0x3;
	s26 =	smax.u32 s7, $0x1;
	s12 =	simm.s32 $0x0  }
.Ltmp0:
0x12: {  	s15 =	sadd.s32 $0x200, s13;
	s5 =	sadd.s32 s0, s23;
	(pc) =	sbr.rel .LBB2_1-.Ltmp0, $4  }
0x13: {  	s19 =	sor.u32 $0x200, s17;
	[dreg:$0xd] =	wrdreg s26;
	s26 =	simm.s32 $0xA0  }
0x14: {  	[dreg:$0xa] =	wrdreg s5;
	s5 =	sadd.s32 s0, s24;
	s0 =	sadd.s32 s0, s25  }
0x15: {  	s24 =	simm.s32 $0x5;
	s25 =	simm.s32 $0x1;
	[dreg:$0xb] =	wrdreg s5  }
0x16: {  	v0 =	vimm.f32 $0.0e+00;
	[dreg:$0xc] =	wrdreg s0;
	s0 =	simm.s32 $0x3;
	s5 =	simm.s32 $0x4  }
.LBB2_25:
0x17: {  	s7 =	rddreg [dreg:$0xc];
	s10 =	simm.s32 $0x86B0  }
0x18: {  	[hbm4b:s7+s6] =	stream.linear.scatter [tilespmem:s10], [sflag:$0x5], $0x8000, $0x38;
	[tilespmem:$0x10EB0] =	vst v63  }
0x19: {  	_ =	swait.ge [sflag:s24], $0x8000  }
0x1a: {  	s12 =	sadd.s32 $0x1, s12;
	s23 =	rddreg [dreg:$0xd]  }
0x1b: {  	p0 =	sne.s32 s12, s23  }
.Ltmp1:
0x1c: {  	_ = 	snop;
	(pc) =	sbr.rel @!p0 .LBB2_26-.Ltmp1, $3  }
0x1d: {  	_ =	sdelay $0x1  }
0x1e: {  	[sflag:s24] =	ssyncset.done $0x0  }
0x1f: {  	[sflag:s24] =	ssyncadd.s32 $0xFFFF8000  }
.LBB2_1:
0x20: {  	s7 =	rddreg [dreg:$0x6]  }
0x21: {  	[tilespmem:s6], [sflag:$0x5] =	stream.linear.gather [hbm4b:s7+s6], $0xA0, $0x38;
	[tilespmem:$0x10EB0] =	vst v63  }
0x22: {  	_ =	swait.ge [sflag:s24], $0xA0  }
0x23: {  	[sflag:s24] =	ssyncset.done $0x0  }
0x24: {  	s16 =	simm.s32 $0x87B0;
	[sflag:s24] =	ssyncadd.s32 $0xFFFFFF60  }
0x25: {  	[tilespmem:s16+$0xFFFFFF00] =	vst v0  }
0x26: {  	[tilespmem:s16+$0xF0] =	vst v0  }
0x27: {  	[tilespmem:s16+$0xE0] =	vst v0  }
0x28: {  	[tilespmem:s16+$0xD0] =	vst v0  }
0x29: {  	[tilespmem:s16+$0xC0] =	vst v0  }
0x2a: {  	[tilespmem:s16+$0xB0] =	vst v0  }
0x2b: {  	[tilespmem:s16+$0xA0] =	vst v0  }
0x2c: {  	[tilespmem:s16+$0x90] =	vst v0  }
0x2d: {  	[tilespmem:s16+$0x80] =	vst v0  }
0x2e: {  	[tilespmem:s16+$0x70] =	vst v0  }
0x2f: {  	[tilespmem:s16+$0x60] =	vst v0  }
0x30: {  	[tilespmem:s16+$0x50] =	vst v0  }
0x31: {  	[tilespmem:s16+$0x40] =	vst v0  }
0x32: {  	[tilespmem:s16+$0x30] =	vst v0  }
0x33: {  	[tilespmem:s16+$0x20] =	vst v0  }
0x34: {  	[tilespmem:s16+$0x10] =	vst v0  }
0x35: {  	[tilespmem:s16+$0x0] =	vst v0  }
0x36: {  	[tilespmem:s16+$0xFFFFFFF0] =	vst v0  }
0x37: {  	[tilespmem:s16+$0xFFFFFFE0] =	vst v0  }
0x38: {  	[tilespmem:s16+$0xFFFFFFD0] =	vst v0  }
0x39: {  	[tilespmem:s16+$0xFFFFFFC0] =	vst v0  }
0x3a: {  	[tilespmem:s16+$0xFFFFFFB0] =	vst v0  }
0x3b: {  	[tilespmem:s16+$0xFFFFFFA0] =	vst v0  }
0x3c: {  	[tilespmem:s16+$0xFFFFFF90] =	vst v0  }
0x3d: {  	[tilespmem:s16+$0xFFFFFF80] =	vst v0  }
0x3e: {  	[tilespmem:s16+$0xFFFFFF70] =	vst v0  }
0x3f: {  	[tilespmem:s16+$0xFFFFFF60] =	vst v0  }
0x40: {  	[tilespmem:s16+$0xFFFFFF50] =	vst v0  }
0x41: {  	[tilespmem:s16+$0xFFFFFF40] =	vst v0  }
0x42: {  	[tilespmem:s16+$0xFFFFFF30] =	vst v0  }
0x43: {  	s7 =	simm.s32 $0x0;
	[tilespmem:s16+$0xFFFFFF20] =	vst v0  }
.LBB2_2:
0x44: {  	s7 =	sadd.s32 $0x8, s7;
	[tilespmem:s16+$0xFFFFFF10] =	vst v0;
	s16 =	sadd.s32 $0x200, s16  }
0x45: {  	[tilespmem:s16+$0xFFFFFF00] =	vst v0;
	p0 =	slt.u32 s7, $0x218  }
0x46: {  	[tilespmem:s16+$0xF0] =	vst v0  }
0x47: {  	[tilespmem:s16+$0xE0] =	vst v0  }
0x48: {  	[tilespmem:s16+$0xD0] =	vst v0  }
0x49: {  	[tilespmem:s16+$0xC0] =	vst v0  }
0x4a: {  	[tilespmem:s16+$0xB0] =	vst v0  }
0x4b: {  	[tilespmem:s16+$0xA0] =	vst v0  }
0x4c: {  	[tilespmem:s16+$0x90] =	vst v0  }
0x4d: {  	[tilespmem:s16+$0x80] =	vst v0  }
0x4e: {  	[tilespmem:s16+$0x70] =	vst v0  }
0x4f: {  	[tilespmem:s16+$0x60] =	vst v0  }
0x50: {  	[tilespmem:s16+$0x50] =	vst v0  }
0x51: {  	[tilespmem:s16+$0x40] =	vst v0  }
0x52: {  	[tilespmem:s16+$0x30] =	vst v0  }
0x53: {  	[tilespmem:s16+$0x20] =	vst v0  }
0x54: {  	[tilespmem:s16+$0x10] =	vst v0  }
0x55: {  	[tilespmem:s16+$0x0] =	vst v0  }
0x56: {  	[tilespmem:s16+$0xFFFFFFF0] =	vst v0  }
0x57: {  	[tilespmem:s16+$0xFFFFFFE0] =	vst v0  }
0x58: {  	[tilespmem:s16+$0xFFFFFFD0] =	vst v0  }
0x59: {  	[tilespmem:s16+$0xFFFFFFC0] =	vst v0  }
0x5a: {  	[tilespmem:s16+$0xFFFFFFB0] =	vst v0  }
0x5b: {  	[tilespmem:s16+$0xFFFFFFA0] =	vst v0  }
0x5c: {  	[tilespmem:s16+$0xFFFFFF90] =	vst v0  }
0x5d: {  	[tilespmem:s16+$0xFFFFFF80] =	vst v0  }
0x5e: {  	[tilespmem:s16+$0xFFFFFF70] =	vst v0  }
.Ltmp2:
0x5f: {  	[tilespmem:s16+$0xFFFFFF60] =	vst v0;
	(pc) =	sbr.rel @p0 .LBB2_2-.Ltmp2, $4  }
0x60: {  	[tilespmem:s16+$0xFFFFFF50] =	vst v0  }
0x61: {  	[tilespmem:s16+$0xFFFFFF40] =	vst v0  }
0x62: {  	[tilespmem:s16+$0xFFFFFF30] =	vst v0  }
0x63: {  	[tilespmem:s16+$0xFFFFFF20] =	vst v0  }
0x64: {  	[tilespmem:s16+$0xFFFFFF10] =	vst v0  }
0x65: {  	v1 =	vld [tilespmem:s8+$0x0];
	s7 =	rddreg [dreg:$0x7]  }
0x66: {  	v2 =	vld [tilespmem:s7+$0x0];
	_ =	sdelay $0x3  }
0x67: {  	(v2sf) =	vpush v1, $0x0  }
0x68: {  	(v2sf) =	vpush v2, $0x0;
	_ =	sdelay $0xd  }
0x69: {  	s14 =	spop (v2sf)  }
0x6a: {  	s23 =	sshra.s32 s14, $0x1F;
	s20 =	spop (v2sf);
	s22 =	sand.u32 $0x1FF, s14  }
0x6b: {  	p0 =	slt.s32 s14, $0x1;
	s16 =	sshrl.u32 s23, $0x17;
	s20 =	sadd.s32 $0x1FF, s20  }
0x6c: {  	p1 =	sne.s32 s22, $0x0;
	s22 =	simm.s32 $0x1;
	s16 =	sadd.s32 s16, s14  }
0x6d: {  	s10 =	sand.u32 $0x1FF, s20;
	p0 =	por !p0, !p1;
	p6 =	slt.s32 s20, $0x1  }
0x6e: {  	s23 =	sshra.s32 s20, $0x1F;
	p2 =	sne.s32 s10, $0x0;
	s14 =	sshra.s32 s16, $0x9  }
0x6f: {  	p0 =	por !p0, !p0;
	s16 =	sshrl.u32 s23, $0x17;
	p1 =	por !p6, !p2  }
0x70: {  	s16 =	sadd.s32 s16, s20;
	s20 =	simm.s32 $0x1;
	p1 =	por !p1, !p1  }
0x71: {  	s22 =	simm.s32 @!p0 $0x0;
	s23 =	sshra.s32 s16, $0x9;
	s20 =	simm.s32 @!p1 $0x0  }
0x72: {  	s16 =	ssub.s32 s14, s22;
	s20 =	ssub.s32 s23, s20  }
0x73: {  	p0 =	sge.s32 s16, s20  }
.Ltmp3:
0x74: {  	_ = 	snop;
	(pc) =	sbr.rel @p0 .LBB2_7-.Ltmp3, $1  }
0x75: {  	_ =	sdelay $0x3  }
.LBB2_4:
0x76: {  	s7 =	sshll.u32 s16, $0x6  }
0x77: {  	s7 =	sand.u32 $0x1FFFFFC0, s7  }
0x78: {  	s10 =	simm.s32 $0x0;
	s22 =	sadd.s32 s3, s7  }
0x79: {  	[tilespmem:s26], [sflag:$0x2] =	stream.linear.gather [hbm4b:s22+s10], $0x200, $0x38;
	[tilespmem:$0x10EB0] =	vst v63  }
0x7a: {  	s23 =	simm.s32 $0x2A0;
	s14 =	sadd.s32 s2, s7  }
0x7b: {  	[tilespmem:s23], [sflag:$0x3] =	stream.linear.gather [hbm4b:s14+s10], $0x200, $0x38;
	[tilespmem:$0x10EB0] =	vst v63  }
0x7c: {  	s7 =	sadd.s32 s1, s7  }
0x7d: {  	[tilespmem:s28], [sflag:$0x4] =	stream.linear.gather [hbm4b:s7+s10], $0x200, $0x38;
	[tilespmem:$0x10EB0] =	vst v63  }
0x7e: {  	_ =	swait.ge [sflag:s29], $0x200  }
0x7f: {  	[sflag:s29] =	ssyncset.done $0x0  }
0x80: {  	[sflag:s29] =	ssyncadd.s32 $0xFFFFFE00  }
0x81: {  	[tilespmem:s31], [sflag:$0x1] =	stream.indirect.gather [hbm4b:s4+s30], $0x40, s26, s30, $0xb8;
	[tilespmem:$0x10EB0] =	vst v63  }
0x82: {  	_ =	swait.ge [sflag:s0], $0x200  }
0x83: {  	[sflag:s0] =	ssyncset.done $0x0  }
0x84: {  	[sflag:s0] =	ssyncadd.s32 $0xFFFFFE00  }
0x85: {  	_ =	swait.ge [sflag:s5], $0x200  }
0x86: {  	[sflag:s5] =	ssyncset.done $0x0  }
0x87: {  	[sflag:s5] =	ssyncadd.s32 $0xFFFFFE00  }
0x88: {  	v1 =	vmov s10;
	_ =	swait.ge [sflag:s25], $0x8000  }
0x89: {  	[sflag:s25] =	ssyncset.done $0x0  }
0x8a: {  	[sflag:s25] =	ssyncadd.s32 $0xFFFF8000  }
0x8b: {  	s22 =	simm.s32 $0x6D0;
	s7 =	simm.s32 $0x1;
	v2 =	vld [tilespmem:s23+$0x0]  }
.LBB2_5:
0x8c: {  	p0 =	sne.s32 s7, $0x1FF;
	v3 =	vld [tilespmem:s22+$0xFFFFFFE0]  }
0x8d: {  	v4 =	vld.idx.msk [tilespmem:v1+s28+$0x0], $0xffff;
	_ =	sdelay $0x2  }
0x8e: {  	(v2sf) =	vpush v2, $0x0;
	_ =	sdelay $0xe  }
0x8f: {  	s10 =	spop (v2sf)  }
0x90: {  	s14 =	ssub.s32 s10, s9  }
0x91: {  	p1 =	slt.s32 s10, s11;
	s14 =	sshll.u32 s14, $0x6  }
0x92: {  	v1 =	vmul.f32 v3, v4;
	p2 =	sge.s32 s10, s9;
	s14 =	simm.s32 @!p1 $0x8000  }
0x93: {  	s14 =	simm.s32 @!p2 $0x8000  }
0x94: {  	[tilespmem:s14+$0x86B0] =	vst.add.f32.msk $0xffff, v1  }
0x95: {  	v1 =	vld [tilespmem:s22+$0xFFFFFFF0];
	_ =	sdelay $0x4  }
0x96: {  	v1 =	vmul.f32 v1, v4;
	_ =	sdelay $0x1  }
0x97: {  	[tilespmem:s14+$0x86C0] =	vst.add.f32.msk $0xffff, v1  }
0x98: {  	v1 =	vld [tilespmem:s22+$0x0];
	_ =	sdelay $0x4  }
0x99: {  	v1 =	vmul.f32 v1, v4;
	_ =	sdelay $0x1  }
0x9a: {  	[tilespmem:s14+$0x86D0] =	vst.add.f32.msk $0xffff, v1  }
0x9b: {  	v2 =	vld [tilespmem:s22+$0x10];
	_ =	sdelay $0x3  }
.Ltmp4:
0x9c: {  	(pc) =	sbr.rel @p0 .LBB2_5-.Ltmp4, $3  }
0x9d: {  	v1 =	vmov s7;
	v2 =	vmul.f32 v2, v4;
	_ =	sdelay $0x1  }
0x9e: {  	s23 =	sadd.s32 $0x1, s23;
	[tilespmem:s14+$0x86E0] =	vst.add.f32.msk $0xffff, v2  }
0x9f: {  	s7 =	sadd.s32 $0x1, s7;
	s22 =	sadd.s32 $0x40, s22;
	v2 =	vld [tilespmem:s23+$0x0]  }
0xa0: {  	_ =	sdelay $0x3  }
0xa1: {  	(v2sf) =	vpush v2, $0x0;
	_ =	sdelay $0xb  }
0xa2: {  	v1 =	vld.idx.msk [tilespmem:v1+s28+$0x0], $0xffff  }
0xa3: {  	v2 =	vld [tilespmem:s22+$0xFFFFFFE0];
	_ =	sdelay $0x1  }
0xa4: {  	s7 =	spop (v2sf)  }
0xa5: {  	s10 =	ssub.s32 s7, s9  }
0xa6: {  	p0 =	slt.s32 s7, s11;
	s10 =	sshll.u32 s10, $0x6  }
0xa7: {  	v2 =	vmul.f32 v2, v1;
	p1 =	sge.s32 s7, s9;
	s10 =	simm.s32 @!p0 $0x8000  }
0xa8: {  	s10 =	simm.s32 @!p1 $0x8000  }
0xa9: {  	[tilespmem:s10+$0x86B0] =	vst.add.f32.msk $0xffff, v2  }
0xaa: {  	v2 =	vld [tilespmem:s22+$0xFFFFFFF0];
	_ =	sdelay $0x4  }
0xab: {  	v2 =	vmul.f32 v2, v1;
	_ =	sdelay $0x1  }
0xac: {  	[tilespmem:s10+$0x86C0] =	vst.add.f32.msk $0xffff, v2  }
0xad: {  	v2 =	vld [tilespmem:s22+$0x0];
	_ =	sdelay $0x4  }
0xae: {  	v2 =	vmul.f32 v2, v1;
	_ =	sdelay $0x1  }
0xaf: {  	[tilespmem:s10+$0x86D0] =	vst.add.f32.msk $0xffff, v2  }
0xb0: {  	v2 =	vld [tilespmem:s22+$0x10]  }
0xb1: {  	s16 =	sadd.s32 $0x1, s16  }
0xb2: {  	p0 =	slt.s32 s16, s20  }
.Ltmp5:
0xb3: {  	_ = 	snop;
	(pc) =	sbr.rel @p0 .LBB2_4-.Ltmp5, $3  }
0xb4: {  	_ = 	snop  }
0xb5: {  	v1 =	vmul.f32 v2, v1;
	_ =	sdelay $0x1  }
0xb6: {  	[tilespmem:s10+$0x86E0] =	vst.add.f32.msk $0xffff, v1  }
.LBB2_7:
0xb7: {  	s7 =	rddreg [dreg:$0x8];
	s10 =	simm.s32 $0x86B0  }
0xb8: {  	[hbm4b:s7+s6] =	stream.linear.scatter [tilespmem:s10], [sflag:$0x5], $0x8000, $0x38;
	[tilespmem:$0x10EB0] =	vst v63  }
0xb9: {  	_ =	swait.ge [sflag:s24], $0x8000  }
0xba: {  	[sflag:s24] =	ssyncset.done $0x0  }
0xbb: {  	s16 =	simm.s32 $0x87B0;
	[sflag:s24] =	ssyncadd.s32 $0xFFFF8000  }
0xbc: {  	[tilespmem:s16+$0xFFFFFF00] =	vst v0  }
0xbd: {  	[tilespmem:s16+$0xF0] =	vst v0  }
0xbe: {  	[tilespmem:s16+$0xE0] =	vst v0  }
0xbf: {  	[tilespmem:s16+$0xD0] =	vst v0  }
0xc0: {  	[tilespmem:s16+$0xC0] =	vst v0  }
0xc1: {  	[tilespmem:s16+$0xB0] =	vst v0  }
0xc2: {  	[tilespmem:s16+$0xA0] =	vst v0  }
0xc3: {  	[tilespmem:s16+$0x90] =	vst v0  }
0xc4: {  	[tilespmem:s16+$0x80] =	vst v0  }
0xc5: {  	[tilespmem:s16+$0x70] =	vst v0  }
0xc6: {  	[tilespmem:s16+$0x60] =	vst v0  }
0xc7: {  	[tilespmem:s16+$0x50] =	vst v0  }
0xc8: {  	[tilespmem:s16+$0x40] =	vst v0  }
0xc9: {  	[tilespmem:s16+$0x30] =	vst v0  }
0xca: {  	[tilespmem:s16+$0x20] =	vst v0  }
0xcb: {  	[tilespmem:s16+$0x10] =	vst v0  }
0xcc: {  	[tilespmem:s16+$0x0] =	vst v0  }
0xcd: {  	[tilespmem:s16+$0xFFFFFFF0] =	vst v0  }
0xce: {  	[tilespmem:s16+$0xFFFFFFE0] =	vst v0  }
0xcf: {  	[tilespmem:s16+$0xFFFFFFD0] =	vst v0  }
0xd0: {  	[tilespmem:s16+$0xFFFFFFC0] =	vst v0  }
0xd1: {  	[tilespmem:s16+$0xFFFFFFB0] =	vst v0  }
0xd2: {  	[tilespmem:s16+$0xFFFFFFA0] =	vst v0  }
0xd3: {  	[tilespmem:s16+$0xFFFFFF90] =	vst v0  }
0xd4: {  	[tilespmem:s16+$0xFFFFFF80] =	vst v0  }
0xd5: {  	[tilespmem:s16+$0xFFFFFF70] =	vst v0  }
0xd6: {  	[tilespmem:s16+$0xFFFFFF60] =	vst v0  }
0xd7: {  	[tilespmem:s16+$0xFFFFFF50] =	vst v0  }
0xd8: {  	[tilespmem:s16+$0xFFFFFF40] =	vst v0  }
0xd9: {  	[tilespmem:s16+$0xFFFFFF30] =	vst v0  }
0xda: {  	s7 =	simm.s32 $0x0;
	[tilespmem:s16+$0xFFFFFF20] =	vst v0  }
.LBB2_8:
0xdb: {  	s7 =	sadd.s32 $0x8, s7;
	[tilespmem:s16+$0xFFFFFF10] =	vst v0;
	s16 =	sadd.s32 $0x200, s16  }
0xdc: {  	[tilespmem:s16+$0xFFFFFF00] =	vst v0;
	p0 =	slt.u32 s7, $0x218  }
0xdd: {  	[tilespmem:s16+$0xF0] =	vst v0  }
0xde: {  	[tilespmem:s16+$0xE0] =	vst v0  }
0xdf: {  	[tilespmem:s16+$0xD0] =	vst v0  }
0xe0: {  	[tilespmem:s16+$0xC0] =	vst v0  }
0xe1: {  	[tilespmem:s16+$0xB0] =	vst v0  }
0xe2: {  	[tilespmem:s16+$0xA0] =	vst v0  }
0xe3: {  	[tilespmem:s16+$0x90] =	vst v0  }
0xe4: {  	[tilespmem:s16+$0x80] =	vst v0  }
0xe5: {  	[tilespmem:s16+$0x70] =	vst v0  }
0xe6: {  	[tilespmem:s16+$0x60] =	vst v0  }
0xe7: {  	[tilespmem:s16+$0x50] =	vst v0  }
0xe8: {  	[tilespmem:s16+$0x40] =	vst v0  }
0xe9: {  	[tilespmem:s16+$0x30] =	vst v0  }
0xea: {  	[tilespmem:s16+$0x20] =	vst v0  }
0xeb: {  	[tilespmem:s16+$0x10] =	vst v0  }
0xec: {  	[tilespmem:s16+$0x0] =	vst v0  }
0xed: {  	[tilespmem:s16+$0xFFFFFFF0] =	vst v0  }
0xee: {  	[tilespmem:s16+$0xFFFFFFE0] =	vst v0  }
0xef: {  	[tilespmem:s16+$0xFFFFFFD0] =	vst v0  }
0xf0: {  	[tilespmem:s16+$0xFFFFFFC0] =	vst v0  }
0xf1: {  	[tilespmem:s16+$0xFFFFFFB0] =	vst v0  }
0xf2: {  	[tilespmem:s16+$0xFFFFFFA0] =	vst v0  }
0xf3: {  	[tilespmem:s16+$0xFFFFFF90] =	vst v0  }
0xf4: {  	[tilespmem:s16+$0xFFFFFF80] =	vst v0  }
0xf5: {  	[tilespmem:s16+$0xFFFFFF70] =	vst v0  }
.Ltmp6:
0xf6: {  	[tilespmem:s16+$0xFFFFFF60] =	vst v0;
	(pc) =	sbr.rel @p0 .LBB2_8-.Ltmp6, $4  }
0xf7: {  	[tilespmem:s16+$0xFFFFFF50] =	vst v0  }
0xf8: {  	[tilespmem:s16+$0xFFFFFF40] =	vst v0  }
0xf9: {  	[tilespmem:s16+$0xFFFFFF30] =	vst v0  }
0xfa: {  	[tilespmem:s16+$0xFFFFFF20] =	vst v0  }
0xfb: {  	[tilespmem:s16+$0xFFFFFF10] =	vst v0  }
0xfc: {  	s7 =	rddreg [dreg:$0x7]  }
0xfd: {  	s20 =	rddreg [dreg:$0x9];
	v1 =	vld [tilespmem:s7+$0x0]  }
0xfe: {  	v2 =	vld [tilespmem:s20+$0x0];
	_ =	sdelay $0x3  }
0xff: {  	(v2sf) =	vpush v1, $0x0  }
0x100: {  	(v2sf) =	vpush v2, $0x0;
	_ =	sdelay $0xd  }
0x101: {  	s22 =	spop (v2sf)  }
0x102: {  	s16 =	simm.s32 $0x1;
	s10 =	sshra.s32 s22, $0x1F;
	s14 =	spop (v2sf)  }
0x103: {  	s23 =	sand.u32 $0x1FF, s22;
	p0 =	slt.s32 s22, $0x1;
	s10 =	sshrl.u32 s10, $0x17  }
0x104: {  	s14 =	sadd.s32 $0x1FF, s14;
	p1 =	sne.s32 s23, $0x0;
	s10 =	sadd.s32 s10, s22  }
0x105: {  	s20 =	sand.u32 $0x1FF, s14;
	p0 =	por !p0, !p1;
	p6 =	slt.s32 s14, $0x1  }
0x106: {  	s23 =	sshra.s32 s14, $0x1F;
	p2 =	sne.s32 s20, $0x0;
	s22 =	sshra.s32 s10, $0x9  }
0x107: {  	p0 =	por !p0, !p0;
	s10 =	sshrl.u32 s23, $0x17;
	p1 =	por !p6, !p2  }
0x108: {  	s10 =	sadd.s32 s10, s14;
	s14 =	simm.s32 $0x1;
	p1 =	por !p1, !p1  }
0x109: {  	s16 =	simm.s32 @!p0 $0x0;
	s10 =	sshra.s32 s10, $0x9;
	s14 =	simm.s32 @!p1 $0x0  }
0x10a: {  	s16 =	ssub.s32 s22, s16;
	s20 =	ssub.s32 s10, s14  }
0x10b: {  	p0 =	sge.s32 s16, s20  }
.Ltmp7:
0x10c: {  	_ = 	snop;
	(pc) =	sbr.rel @p0 .LBB2_13-.Ltmp7, $1  }
0x10d: {  	_ =	sdelay $0x3  }
.LBB2_10:
0x10e: {  	s7 =	sshll.u32 s16, $0x6  }
0x10f: {  	s7 =	sand.u32 $0x1FFFFFC0, s7  }
0x110: {  	s14 =	simm.s32 $0x0;
	s10 =	sadd.s32 s3, s7  }
0x111: {  	[tilespmem:s26], [sflag:$0x2] =	stream.linear.gather [hbm4b:s10+s14], $0x200, $0x38;
	[tilespmem:$0x10EB0] =	vst v63  }
0x112: {  	s23 =	simm.s32 $0x2A0;
	s22 =	sadd.s32 s2, s7  }
0x113: {  	[tilespmem:s23], [sflag:$0x3] =	stream.linear.gather [hbm4b:s22+s14], $0x200, $0x38;
	[tilespmem:$0x10EB0] =	vst v63  }
0x114: {  	s7 =	sadd.s32 s1, s7  }
0x115: {  	[tilespmem:s28], [sflag:$0x4] =	stream.linear.gather [hbm4b:s7+s14], $0x200, $0x38;
	[tilespmem:$0x10EB0] =	vst v63  }
0x116: {  	_ =	swait.ge [sflag:s29], $0x200  }
0x117: {  	[sflag:s29] =	ssyncset.done $0x0  }
0x118: {  	[sflag:s29] =	ssyncadd.s32 $0xFFFFFE00  }
0x119: {  	[tilespmem:s31], [sflag:$0x1] =	stream.indirect.gather [hbm4b:s4+s30], $0x40, s26, s30, $0xb8;
	[tilespmem:$0x10EB0] =	vst v63  }
0x11a: {  	_ =	swait.ge [sflag:s0], $0x200  }
0x11b: {  	[sflag:s0] =	ssyncset.done $0x0  }
0x11c: {  	[sflag:s0] =	ssyncadd.s32 $0xFFFFFE00  }
0x11d: {  	_ =	swait.ge [sflag:s5], $0x200  }
0x11e: {  	[sflag:s5] =	ssyncset.done $0x0  }
0x11f: {  	[sflag:s5] =	ssyncadd.s32 $0xFFFFFE00  }
0x120: {  	v1 =	vmov s14;
	_ =	swait.ge [sflag:s25], $0x8000  }
0x121: {  	[sflag:s25] =	ssyncset.done $0x0  }
0x122: {  	[sflag:s25] =	ssyncadd.s32 $0xFFFF8000  }
0x123: {  	s22 =	simm.s32 $0x6D0;
	s7 =	simm.s32 $0x1;
	v2 =	vld [tilespmem:s23+$0x0]  }
.LBB2_11:
0x124: {  	p0 =	sne.s32 s7, $0x1FF;
	v3 =	vld [tilespmem:s22+$0xFFFFFFE0]  }
0x125: {  	v4 =	vld.idx.msk [tilespmem:v1+s28+$0x0], $0xffff;
	_ =	sdelay $0x2  }
0x126: {  	(v2sf) =	vpush v2, $0x0;
	_ =	sdelay $0xe  }
0x127: {  	s10 =	spop (v2sf)  }
0x128: {  	s14 =	ssub.s32 s10, s13  }
0x129: {  	p1 =	slt.s32 s10, s15;
	s14 =	sshll.u32 s14, $0x6  }
0x12a: {  	v1 =	vmul.f32 v3, v4;
	p2 =	sge.s32 s10, s13;
	s14 =	simm.s32 @!p1 $0x8000  }
0x12b: {  	s14 =	simm.s32 @!p2 $0x8000  }
0x12c: {  	[tilespmem:s14+$0x86B0] =	vst.add.f32.msk $0xffff, v1  }
0x12d: {  	v1 =	vld [tilespmem:s22+$0xFFFFFFF0];
	_ =	sdelay $0x4  }
0x12e: {  	v1 =	vmul.f32 v1, v4;
	_ =	sdelay $0x1  }
0x12f: {  	[tilespmem:s14+$0x86C0] =	vst.add.f32.msk $0xffff, v1  }
0x130: {  	v1 =	vld [tilespmem:s22+$0x0];
	_ =	sdelay $0x4  }
0x131: {  	v1 =	vmul.f32 v1, v4;
	_ =	sdelay $0x1  }
0x132: {  	[tilespmem:s14+$0x86D0] =	vst.add.f32.msk $0xffff, v1  }
0x133: {  	v2 =	vld [tilespmem:s22+$0x10];
	_ =	sdelay $0x3  }
.Ltmp8:
0x134: {  	(pc) =	sbr.rel @p0 .LBB2_11-.Ltmp8, $3  }
0x135: {  	v1 =	vmov s7;
	v2 =	vmul.f32 v2, v4;
	_ =	sdelay $0x1  }
0x136: {  	s23 =	sadd.s32 $0x1, s23;
	[tilespmem:s14+$0x86E0] =	vst.add.f32.msk $0xffff, v2  }
0x137: {  	s7 =	sadd.s32 $0x1, s7;
	s22 =	sadd.s32 $0x40, s22;
	v2 =	vld [tilespmem:s23+$0x0]  }
0x138: {  	_ =	sdelay $0x3  }
0x139: {  	(v2sf) =	vpush v2, $0x0;
	_ =	sdelay $0xb  }
0x13a: {  	v1 =	vld.idx.msk [tilespmem:v1+s28+$0x0], $0xffff  }
0x13b: {  	v2 =	vld [tilespmem:s22+$0xFFFFFFE0];
	_ =	sdelay $0x1  }
0x13c: {  	s7 =	spop (v2sf)  }
0x13d: {  	s10 =	ssub.s32 s7, s13  }
0x13e: {  	p0 =	slt.s32 s7, s15;
	s10 =	sshll.u32 s10, $0x6  }
0x13f: {  	v2 =	vmul.f32 v2, v1;
	p1 =	sge.s32 s7, s13;
	s10 =	simm.s32 @!p0 $0x8000  }
0x140: {  	s10 =	simm.s32 @!p1 $0x8000  }
0x141: {  	[tilespmem:s10+$0x86B0] =	vst.add.f32.msk $0xffff, v2  }
0x142: {  	v2 =	vld [tilespmem:s22+$0xFFFFFFF0];
	_ =	sdelay $0x4  }
0x143: {  	v2 =	vmul.f32 v2, v1;
	_ =	sdelay $0x1  }
0x144: {  	[tilespmem:s10+$0x86C0] =	vst.add.f32.msk $0xffff, v2  }
0x145: {  	v2 =	vld [tilespmem:s22+$0x0];
	_ =	sdelay $0x4  }
0x146: {  	v2 =	vmul.f32 v2, v1;
	_ =	sdelay $0x1  }
0x147: {  	[tilespmem:s10+$0x86D0] =	vst.add.f32.msk $0xffff, v2  }
0x148: {  	v2 =	vld [tilespmem:s22+$0x10]  }
0x149: {  	s16 =	sadd.s32 $0x1, s16  }
0x14a: {  	p0 =	slt.s32 s16, s20  }
.Ltmp9:
0x14b: {  	_ = 	snop;
	(pc) =	sbr.rel @p0 .LBB2_10-.Ltmp9, $3  }
0x14c: {  	_ = 	snop  }
0x14d: {  	v1 =	vmul.f32 v2, v1;
	_ =	sdelay $0x1  }
0x14e: {  	[tilespmem:s10+$0x86E0] =	vst.add.f32.msk $0xffff, v1  }
.LBB2_13:
0x14f: {  	s7 =	rddreg [dreg:$0xa];
	s10 =	simm.s32 $0x86B0  }
0x150: {  	[hbm4b:s7+s6] =	stream.linear.scatter [tilespmem:s10], [sflag:$0x5], $0x8000, $0x38;
	[tilespmem:$0x10EB0] =	vst v63  }
0x151: {  	_ =	swait.ge [sflag:s24], $0x8000  }
0x152: {  	[sflag:s24] =	ssyncset.done $0x0  }
0x153: {  	s16 =	simm.s32 $0x87B0;
	[sflag:s24] =	ssyncadd.s32 $0xFFFF8000  }
0x154: {  	[tilespmem:s16+$0xFFFFFF00] =	vst v0  }
0x155: {  	[tilespmem:s16+$0xF0] =	vst v0  }
0x156: {  	[tilespmem:s16+$0xE0] =	vst v0  }
0x157: {  	[tilespmem:s16+$0xD0] =	vst v0  }
0x158: {  	[tilespmem:s16+$0xC0] =	vst v0  }
0x159: {  	[tilespmem:s16+$0xB0] =	vst v0  }
0x15a: {  	[tilespmem:s16+$0xA0] =	vst v0  }
0x15b: {  	[tilespmem:s16+$0x90] =	vst v0  }
0x15c: {  	[tilespmem:s16+$0x80] =	vst v0  }
0x15d: {  	[tilespmem:s16+$0x70] =	vst v0  }
0x15e: {  	[tilespmem:s16+$0x60] =	vst v0  }
0x15f: {  	[tilespmem:s16+$0x50] =	vst v0  }
0x160: {  	[tilespmem:s16+$0x40] =	vst v0  }
0x161: {  	[tilespmem:s16+$0x30] =	vst v0  }
0x162: {  	[tilespmem:s16+$0x20] =	vst v0  }
0x163: {  	[tilespmem:s16+$0x10] =	vst v0  }
0x164: {  	[tilespmem:s16+$0x0] =	vst v0  }
0x165: {  	[tilespmem:s16+$0xFFFFFFF0] =	vst v0  }
0x166: {  	[tilespmem:s16+$0xFFFFFFE0] =	vst v0  }
0x167: {  	[tilespmem:s16+$0xFFFFFFD0] =	vst v0  }
0x168: {  	[tilespmem:s16+$0xFFFFFFC0] =	vst v0  }
0x169: {  	[tilespmem:s16+$0xFFFFFFB0] =	vst v0  }
0x16a: {  	[tilespmem:s16+$0xFFFFFFA0] =	vst v0  }
0x16b: {  	[tilespmem:s16+$0xFFFFFF90] =	vst v0  }
0x16c: {  	[tilespmem:s16+$0xFFFFFF80] =	vst v0  }
0x16d: {  	[tilespmem:s16+$0xFFFFFF70] =	vst v0  }
0x16e: {  	[tilespmem:s16+$0xFFFFFF60] =	vst v0  }
0x16f: {  	[tilespmem:s16+$0xFFFFFF50] =	vst v0  }
0x170: {  	[tilespmem:s16+$0xFFFFFF40] =	vst v0  }
0x171: {  	[tilespmem:s16+$0xFFFFFF30] =	vst v0  }
0x172: {  	s7 =	simm.s32 $0x0;
	[tilespmem:s16+$0xFFFFFF20] =	vst v0  }
.LBB2_14:
0x173: {  	s7 =	sadd.s32 $0x8, s7;
	[tilespmem:s16+$0xFFFFFF10] =	vst v0;
	s16 =	sadd.s32 $0x200, s16  }
0x174: {  	[tilespmem:s16+$0xFFFFFF00] =	vst v0;
	p0 =	slt.u32 s7, $0x218  }
0x175: {  	[tilespmem:s16+$0xF0] =	vst v0  }
0x176: {  	[tilespmem:s16+$0xE0] =	vst v0  }
0x177: {  	[tilespmem:s16+$0xD0] =	vst v0  }
0x178: {  	[tilespmem:s16+$0xC0] =	vst v0  }
0x179: {  	[tilespmem:s16+$0xB0] =	vst v0  }
0x17a: {  	[tilespmem:s16+$0xA0] =	vst v0  }
0x17b: {  	[tilespmem:s16+$0x90] =	vst v0  }
0x17c: {  	[tilespmem:s16+$0x80] =	vst v0  }
0x17d: {  	[tilespmem:s16+$0x70] =	vst v0  }
0x17e: {  	[tilespmem:s16+$0x60] =	vst v0  }
0x17f: {  	[tilespmem:s16+$0x50] =	vst v0  }
0x180: {  	[tilespmem:s16+$0x40] =	vst v0  }
0x181: {  	[tilespmem:s16+$0x30] =	vst v0  }
0x182: {  	[tilespmem:s16+$0x20] =	vst v0  }
0x183: {  	[tilespmem:s16+$0x10] =	vst v0  }
0x184: {  	[tilespmem:s16+$0x0] =	vst v0  }
0x185: {  	[tilespmem:s16+$0xFFFFFFF0] =	vst v0  }
0x186: {  	[tilespmem:s16+$0xFFFFFFE0] =	vst v0  }
0x187: {  	[tilespmem:s16+$0xFFFFFFD0] =	vst v0  }
0x188: {  	[tilespmem:s16+$0xFFFFFFC0] =	vst v0  }
0x189: {  	[tilespmem:s16+$0xFFFFFFB0] =	vst v0  }
0x18a: {  	[tilespmem:s16+$0xFFFFFFA0] =	vst v0  }
0x18b: {  	[tilespmem:s16+$0xFFFFFF90] =	vst v0  }
0x18c: {  	[tilespmem:s16+$0xFFFFFF80] =	vst v0  }
0x18d: {  	[tilespmem:s16+$0xFFFFFF70] =	vst v0  }
.Ltmp10:
0x18e: {  	[tilespmem:s16+$0xFFFFFF60] =	vst v0;
	(pc) =	sbr.rel @p0 .LBB2_14-.Ltmp10, $4  }
0x18f: {  	[tilespmem:s16+$0xFFFFFF50] =	vst v0  }
0x190: {  	[tilespmem:s16+$0xFFFFFF40] =	vst v0  }
0x191: {  	[tilespmem:s16+$0xFFFFFF30] =	vst v0  }
0x192: {  	[tilespmem:s16+$0xFFFFFF20] =	vst v0  }
0x193: {  	[tilespmem:s16+$0xFFFFFF10] =	vst v0  }
0x194: {  	s7 =	rddreg [dreg:$0x9]  }
0x195: {  	v1 =	vld [tilespmem:s7+$0x0]  }
0x196: {  	v2 =	vld [tilespmem:s8+$0x3];
	_ =	sdelay $0x3  }
0x197: {  	(v2sf) =	vpush v1, $0x0  }
0x198: {  	(v2sf) =	vpush v2, $0x0;
	_ =	sdelay $0xd  }
0x199: {  	s22 =	spop (v2sf)  }
0x19a: {  	s16 =	simm.s32 $0x1;
	s10 =	sshra.s32 s22, $0x1F;
	s14 =	spop (v2sf)  }
0x19b: {  	s23 =	sand.u32 $0x1FF, s22;
	p0 =	slt.s32 s22, $0x1;
	s10 =	sshrl.u32 s10, $0x17  }
0x19c: {  	s14 =	sadd.s32 $0x1FF, s14;
	p1 =	sne.s32 s23, $0x0;
	s10 =	sadd.s32 s10, s22  }
0x19d: {  	s20 =	sand.u32 $0x1FF, s14;
	p0 =	por !p0, !p1;
	p6 =	slt.s32 s14, $0x1  }
0x19e: {  	s23 =	sshra.s32 s14, $0x1F;
	p2 =	sne.s32 s20, $0x0;
	s22 =	sshra.s32 s10, $0x9  }
0x19f: {  	p0 =	por !p0, !p0;
	s10 =	sshrl.u32 s23, $0x17;
	p1 =	por !p6, !p2  }
0x1a0: {  	s10 =	sadd.s32 s10, s14;
	s14 =	simm.s32 $0x1;
	p1 =	por !p1, !p1  }
0x1a1: {  	s16 =	simm.s32 @!p0 $0x0;
	s10 =	sshra.s32 s10, $0x9;
	s14 =	simm.s32 @!p1 $0x0  }
0x1a2: {  	s16 =	ssub.s32 s22, s16;
	s20 =	ssub.s32 s10, s14  }
0x1a3: {  	p0 =	sge.s32 s16, s20  }
.Ltmp11:
0x1a4: {  	_ = 	snop;
	(pc) =	sbr.rel @p0 .LBB2_19-.Ltmp11, $1  }
0x1a5: {  	_ =	sdelay $0x3  }
.LBB2_16:
0x1a6: {  	s7 =	sshll.u32 s16, $0x6  }
0x1a7: {  	s7 =	sand.u32 $0x1FFFFFC0, s7  }
0x1a8: {  	s14 =	simm.s32 $0x0;
	s10 =	sadd.s32 s3, s7  }
0x1a9: {  	[tilespmem:s26], [sflag:$0x2] =	stream.linear.gather [hbm4b:s10+s14], $0x200, $0x38;
	[tilespmem:$0x10EB0] =	vst v63  }
0x1aa: {  	s23 =	simm.s32 $0x2A0;
	s22 =	sadd.s32 s2, s7  }
0x1ab: {  	[tilespmem:s23], [sflag:$0x3] =	stream.linear.gather [hbm4b:s22+s14], $0x200, $0x38;
	[tilespmem:$0x10EB0] =	vst v63  }
0x1ac: {  	s7 =	sadd.s32 s1, s7  }
0x1ad: {  	[tilespmem:s28], [sflag:$0x4] =	stream.linear.gather [hbm4b:s7+s14], $0x200, $0x38;
	[tilespmem:$0x10EB0] =	vst v63  }
0x1ae: {  	_ =	swait.ge [sflag:s29], $0x200  }
0x1af: {  	[sflag:s29] =	ssyncset.done $0x0  }
0x1b0: {  	[sflag:s29] =	ssyncadd.s32 $0xFFFFFE00  }
0x1b1: {  	[tilespmem:s31], [sflag:$0x1] =	stream.indirect.gather [hbm4b:s4+s30], $0x40, s26, s30, $0xb8;
	[tilespmem:$0x10EB0] =	vst v63  }
0x1b2: {  	_ =	swait.ge [sflag:s0], $0x200  }
0x1b3: {  	[sflag:s0] =	ssyncset.done $0x0  }
0x1b4: {  	[sflag:s0] =	ssyncadd.s32 $0xFFFFFE00  }
0x1b5: {  	_ =	swait.ge [sflag:s5], $0x200  }
0x1b6: {  	[sflag:s5] =	ssyncset.done $0x0  }
0x1b7: {  	[sflag:s5] =	ssyncadd.s32 $0xFFFFFE00  }
0x1b8: {  	v1 =	vmov s14;
	_ =	swait.ge [sflag:s25], $0x8000  }
0x1b9: {  	[sflag:s25] =	ssyncset.done $0x0  }
0x1ba: {  	[sflag:s25] =	ssyncadd.s32 $0xFFFF8000  }
0x1bb: {  	s22 =	simm.s32 $0x6D0;
	s7 =	simm.s32 $0x1;
	v2 =	vld [tilespmem:s23+$0x0]  }
.LBB2_17:
0x1bc: {  	p0 =	sne.s32 s7, $0x1FF;
	v3 =	vld [tilespmem:s22+$0xFFFFFFE0]  }
0x1bd: {  	v4 =	vld.idx.msk [tilespmem:v1+s28+$0x0], $0xffff;
	_ =	sdelay $0x2  }
0x1be: {  	(v2sf) =	vpush v2, $0x0;
	_ =	sdelay $0xe  }
0x1bf: {  	s10 =	spop (v2sf)  }
0x1c0: {  	s14 =	ssub.s32 s10, s17  }
0x1c1: {  	p1 =	slt.s32 s10, s19;
	s14 =	sshll.u32 s14, $0x6  }
0x1c2: {  	v1 =	vmul.f32 v3, v4;
	p2 =	sge.s32 s10, s17;
	s14 =	simm.s32 @!p1 $0x8000  }
0x1c3: {  	s14 =	simm.s32 @!p2 $0x8000  }
0x1c4: {  	[tilespmem:s14+$0x86B0] =	vst.add.f32.msk $0xffff, v1  }
0x1c5: {  	v1 =	vld [tilespmem:s22+$0xFFFFFFF0];
	_ =	sdelay $0x4  }
0x1c6: {  	v1 =	vmul.f32 v1, v4;
	_ =	sdelay $0x1  }
0x1c7: {  	[tilespmem:s14+$0x86C0] =	vst.add.f32.msk $0xffff, v1  }
0x1c8: {  	v1 =	vld [tilespmem:s22+$0x0];
	_ =	sdelay $0x4  }
0x1c9: {  	v1 =	vmul.f32 v1, v4;
	_ =	sdelay $0x1  }
0x1ca: {  	[tilespmem:s14+$0x86D0] =	vst.add.f32.msk $0xffff, v1  }
0x1cb: {  	v2 =	vld [tilespmem:s22+$0x10];
	_ =	sdelay $0x3  }
.Ltmp12:
0x1cc: {  	(pc) =	sbr.rel @p0 .LBB2_17-.Ltmp12, $3  }
0x1cd: {  	v1 =	vmov s7;
	v2 =	vmul.f32 v2, v4;
	_ =	sdelay $0x1  }
0x1ce: {  	s23 =	sadd.s32 $0x1, s23;
	[tilespmem:s14+$0x86E0] =	vst.add.f32.msk $0xffff, v2  }
0x1cf: {  	s7 =	sadd.s32 $0x1, s7;
	s22 =	sadd.s32 $0x40, s22;
	v2 =	vld [tilespmem:s23+$0x0]  }
0x1d0: {  	_ =	sdelay $0x3  }
0x1d1: {  	(v2sf) =	vpush v2, $0x0;
	_ =	sdelay $0xb  }
0x1d2: {  	v1 =	vld.idx.msk [tilespmem:v1+s28+$0x0], $0xffff  }
0x1d3: {  	v2 =	vld [tilespmem:s22+$0xFFFFFFE0];
	_ =	sdelay $0x1  }
0x1d4: {  	s7 =	spop (v2sf)  }
0x1d5: {  	s10 =	ssub.s32 s7, s17  }
0x1d6: {  	p0 =	slt.s32 s7, s19;
	s10 =	sshll.u32 s10, $0x6  }
0x1d7: {  	v2 =	vmul.f32 v2, v1;
	p1 =	sge.s32 s7, s17;
	s10 =	simm.s32 @!p0 $0x8000  }
0x1d8: {  	s10 =	simm.s32 @!p1 $0x8000  }
0x1d9: {  	[tilespmem:s10+$0x86B0] =	vst.add.f32.msk $0xffff, v2  }
0x1da: {  	v2 =	vld [tilespmem:s22+$0xFFFFFFF0];
	_ =	sdelay $0x4  }
0x1db: {  	v2 =	vmul.f32 v2, v1;
	_ =	sdelay $0x1  }
0x1dc: {  	[tilespmem:s10+$0x86C0] =	vst.add.f32.msk $0xffff, v2  }
0x1dd: {  	v2 =	vld [tilespmem:s22+$0x0];
	_ =	sdelay $0x4  }
0x1de: {  	v2 =	vmul.f32 v2, v1;
	_ =	sdelay $0x1  }
0x1df: {  	[tilespmem:s10+$0x86D0] =	vst.add.f32.msk $0xffff, v2  }
0x1e0: {  	v2 =	vld [tilespmem:s22+$0x10]  }
0x1e1: {  	s16 =	sadd.s32 $0x1, s16  }
0x1e2: {  	p0 =	slt.s32 s16, s20  }
.Ltmp13:
0x1e3: {  	_ = 	snop;
	(pc) =	sbr.rel @p0 .LBB2_16-.Ltmp13, $3  }
0x1e4: {  	_ = 	snop  }
0x1e5: {  	v1 =	vmul.f32 v2, v1;
	_ =	sdelay $0x1  }
0x1e6: {  	[tilespmem:s10+$0x86E0] =	vst.add.f32.msk $0xffff, v1  }
.LBB2_19:
0x1e7: {  	s7 =	rddreg [dreg:$0xb];
	s10 =	simm.s32 $0x86B0  }
0x1e8: {  	[hbm4b:s7+s6] =	stream.linear.scatter [tilespmem:s10], [sflag:$0x5], $0x8000, $0x38;
	[tilespmem:$0x10EB0] =	vst v63  }
0x1e9: {  	_ =	swait.ge [sflag:s24], $0x8000  }
0x1ea: {  	[sflag:s24] =	ssyncset.done $0x0  }
0x1eb: {  	s16 =	simm.s32 $0x87B0;
	[sflag:s24] =	ssyncadd.s32 $0xFFFF8000  }
0x1ec: {  	[tilespmem:s16+$0xFFFFFF00] =	vst v0  }
0x1ed: {  	[tilespmem:s16+$0xF0] =	vst v0  }
0x1ee: {  	[tilespmem:s16+$0xE0] =	vst v0  }
0x1ef: {  	[tilespmem:s16+$0xD0] =	vst v0  }
0x1f0: {  	[tilespmem:s16+$0xC0] =	vst v0  }
0x1f1: {  	[tilespmem:s16+$0xB0] =	vst v0  }
0x1f2: {  	[tilespmem:s16+$0xA0] =	vst v0  }
0x1f3: {  	[tilespmem:s16+$0x90] =	vst v0  }
0x1f4: {  	[tilespmem:s16+$0x80] =	vst v0  }
0x1f5: {  	[tilespmem:s16+$0x70] =	vst v0  }
0x1f6: {  	[tilespmem:s16+$0x60] =	vst v0  }
0x1f7: {  	[tilespmem:s16+$0x50] =	vst v0  }
0x1f8: {  	[tilespmem:s16+$0x40] =	vst v0  }
0x1f9: {  	[tilespmem:s16+$0x30] =	vst v0  }
0x1fa: {  	[tilespmem:s16+$0x20] =	vst v0  }
0x1fb: {  	[tilespmem:s16+$0x10] =	vst v0  }
0x1fc: {  	[tilespmem:s16+$0x0] =	vst v0  }
0x1fd: {  	[tilespmem:s16+$0xFFFFFFF0] =	vst v0  }
0x1fe: {  	[tilespmem:s16+$0xFFFFFFE0] =	vst v0  }
0x1ff: {  	[tilespmem:s16+$0xFFFFFFD0] =	vst v0  }
0x200: {  	[tilespmem:s16+$0xFFFFFFC0] =	vst v0  }
0x201: {  	[tilespmem:s16+$0xFFFFFFB0] =	vst v0  }
0x202: {  	[tilespmem:s16+$0xFFFFFFA0] =	vst v0  }
0x203: {  	[tilespmem:s16+$0xFFFFFF90] =	vst v0  }
0x204: {  	[tilespmem:s16+$0xFFFFFF80] =	vst v0  }
0x205: {  	[tilespmem:s16+$0xFFFFFF70] =	vst v0  }
0x206: {  	[tilespmem:s16+$0xFFFFFF60] =	vst v0  }
0x207: {  	[tilespmem:s16+$0xFFFFFF50] =	vst v0  }
0x208: {  	[tilespmem:s16+$0xFFFFFF40] =	vst v0  }
0x209: {  	[tilespmem:s16+$0xFFFFFF30] =	vst v0  }
0x20a: {  	s7 =	simm.s32 $0x0;
	[tilespmem:s16+$0xFFFFFF20] =	vst v0  }
.LBB2_20:
0x20b: {  	s7 =	sadd.s32 $0x8, s7;
	[tilespmem:s16+$0xFFFFFF10] =	vst v0;
	s16 =	sadd.s32 $0x200, s16  }
0x20c: {  	[tilespmem:s16+$0xFFFFFF00] =	vst v0;
	p0 =	slt.u32 s7, $0x218  }
0x20d: {  	[tilespmem:s16+$0xF0] =	vst v0  }
0x20e: {  	[tilespmem:s16+$0xE0] =	vst v0  }
0x20f: {  	[tilespmem:s16+$0xD0] =	vst v0  }
0x210: {  	[tilespmem:s16+$0xC0] =	vst v0  }
0x211: {  	[tilespmem:s16+$0xB0] =	vst v0  }
0x212: {  	[tilespmem:s16+$0xA0] =	vst v0  }
0x213: {  	[tilespmem:s16+$0x90] =	vst v0  }
0x214: {  	[tilespmem:s16+$0x80] =	vst v0  }
0x215: {  	[tilespmem:s16+$0x70] =	vst v0  }
0x216: {  	[tilespmem:s16+$0x60] =	vst v0  }
0x217: {  	[tilespmem:s16+$0x50] =	vst v0  }
0x218: {  	[tilespmem:s16+$0x40] =	vst v0  }
0x219: {  	[tilespmem:s16+$0x30] =	vst v0  }
0x21a: {  	[tilespmem:s16+$0x20] =	vst v0  }
0x21b: {  	[tilespmem:s16+$0x10] =	vst v0  }
0x21c: {  	[tilespmem:s16+$0x0] =	vst v0  }
0x21d: {  	[tilespmem:s16+$0xFFFFFFF0] =	vst v0  }
0x21e: {  	[tilespmem:s16+$0xFFFFFFE0] =	vst v0  }
0x21f: {  	[tilespmem:s16+$0xFFFFFFD0] =	vst v0  }
0x220: {  	[tilespmem:s16+$0xFFFFFFC0] =	vst v0  }
0x221: {  	[tilespmem:s16+$0xFFFFFFB0] =	vst v0  }
0x222: {  	[tilespmem:s16+$0xFFFFFFA0] =	vst v0  }
0x223: {  	[tilespmem:s16+$0xFFFFFF90] =	vst v0  }
0x224: {  	[tilespmem:s16+$0xFFFFFF80] =	vst v0  }
0x225: {  	[tilespmem:s16+$0xFFFFFF70] =	vst v0  }
.Ltmp14:
0x226: {  	[tilespmem:s16+$0xFFFFFF60] =	vst v0;
	(pc) =	sbr.rel @p0 .LBB2_20-.Ltmp14, $4  }
0x227: {  	[tilespmem:s16+$0xFFFFFF50] =	vst v0  }
0x228: {  	[tilespmem:s16+$0xFFFFFF40] =	vst v0  }
0x229: {  	[tilespmem:s16+$0xFFFFFF30] =	vst v0  }
0x22a: {  	[tilespmem:s16+$0xFFFFFF20] =	vst v0  }
0x22b: {  	[tilespmem:s16+$0xFFFFFF10] =	vst v0  }
0x22c: {  	v1 =	vld [tilespmem:s8+$0x3]  }
0x22d: {  	v2 =	vld [tilespmem:s8+$0x4];
	_ =	sdelay $0x3  }
0x22e: {  	(v2sf) =	vpush v1, $0x0  }
0x22f: {  	(v2sf) =	vpush v2, $0x0;
	_ =	sdelay $0xd  }
0x230: {  	s7 =	spop (v2sf)  }
0x231: {  	s16 =	simm.s32 $0x1;
	s10 =	sshra.s32 s7, $0x1F;
	s14 =	spop (v2sf)  }
0x232: {  	s23 =	sand.u32 $0x1FF, s7;
	p0 =	slt.s32 s7, $0x1;
	s10 =	sshrl.u32 s10, $0x17  }
0x233: {  	s14 =	sadd.s32 $0x1FF, s14;
	p1 =	sne.s32 s23, $0x0;
	s10 =	sadd.s32 s10, s7  }
0x234: {  	s20 =	sand.u32 $0x1FF, s14;
	p0 =	por !p0, !p1;
	p6 =	slt.s32 s14, $0x1  }
0x235: {  	s23 =	sshra.s32 s14, $0x1F;
	p2 =	sne.s32 s20, $0x0;
	s22 =	sshra.s32 s10, $0x9  }
0x236: {  	p0 =	por !p0, !p0;
	s10 =	sshrl.u32 s23, $0x17;
	p1 =	por !p6, !p2  }
0x237: {  	s10 =	sadd.s32 s10, s14;
	s14 =	simm.s32 $0x1;
	p1 =	por !p1, !p1  }
0x238: {  	s16 =	simm.s32 @!p0 $0x0;
	s10 =	sshra.s32 s10, $0x9;
	s14 =	simm.s32 @!p1 $0x0  }
0x239: {  	s16 =	ssub.s32 s22, s16;
	s20 =	ssub.s32 s10, s14  }
0x23a: {  	p0 =	sge.s32 s16, s20  }
.Ltmp15:
0x23b: {  	_ = 	snop;
	(pc) =	sbr.rel @p0 .LBB2_25-.Ltmp15, $1  }
0x23c: {  	_ =	sdelay $0x3  }
.LBB2_22:
0x23d: {  	s7 =	sshll.u32 s16, $0x6  }
0x23e: {  	s7 =	sand.u32 $0x1FFFFFC0, s7  }
0x23f: {  	s14 =	simm.s32 $0x0;
	s10 =	sadd.s32 s3, s7  }
0x240: {  	[tilespmem:s26], [sflag:$0x2] =	stream.linear.gather [hbm4b:s10+s14], $0x200, $0x38;
	[tilespmem:$0x10EB0] =	vst v63  }
0x241: {  	s23 =	simm.s32 $0x2A0;
	s22 =	sadd.s32 s2, s7  }
0x242: {  	[tilespmem:s23], [sflag:$0x3] =	stream.linear.gather [hbm4b:s22+s14], $0x200, $0x38;
	[tilespmem:$0x10EB0] =	vst v63  }
0x243: {  	s7 =	sadd.s32 s1, s7  }
0x244: {  	[tilespmem:s28], [sflag:$0x4] =	stream.linear.gather [hbm4b:s7+s14], $0x200, $0x38;
	[tilespmem:$0x10EB0] =	vst v63  }
0x245: {  	_ =	swait.ge [sflag:s29], $0x200  }
0x246: {  	[sflag:s29] =	ssyncset.done $0x0  }
0x247: {  	[sflag:s29] =	ssyncadd.s32 $0xFFFFFE00  }
0x248: {  	[tilespmem:s31], [sflag:$0x1] =	stream.indirect.gather [hbm4b:s4+s30], $0x40, s26, s30, $0xb8;
	[tilespmem:$0x10EB0] =	vst v63  }
0x249: {  	_ =	swait.ge [sflag:s0], $0x200  }
0x24a: {  	[sflag:s0] =	ssyncset.done $0x0  }
0x24b: {  	[sflag:s0] =	ssyncadd.s32 $0xFFFFFE00  }
0x24c: {  	_ =	swait.ge [sflag:s5], $0x200  }
0x24d: {  	[sflag:s5] =	ssyncset.done $0x0  }
0x24e: {  	[sflag:s5] =	ssyncadd.s32 $0xFFFFFE00  }
0x24f: {  	v1 =	vmov s14;
	_ =	swait.ge [sflag:s25], $0x8000  }
0x250: {  	[sflag:s25] =	ssyncset.done $0x0  }
0x251: {  	[sflag:s25] =	ssyncadd.s32 $0xFFFF8000  }
0x252: {  	s22 =	simm.s32 $0x6D0;
	s7 =	simm.s32 $0x1;
	v2 =	vld [tilespmem:s23+$0x0]  }
.LBB2_23:
0x253: {  	p0 =	sne.s32 s7, $0x1FF;
	v3 =	vld [tilespmem:s22+$0xFFFFFFE0]  }
0x254: {  	v4 =	vld.idx.msk [tilespmem:v1+s28+$0x0], $0xffff;
	_ =	sdelay $0x2  }
0x255: {  	(v2sf) =	vpush v2, $0x0;
	_ =	sdelay $0xe  }
0x256: {  	s10 =	spop (v2sf)  }
0x257: {  	s14 =	ssub.s32 s10, s18  }
0x258: {  	p1 =	slt.s32 s10, s21;
	s14 =	sshll.u32 s14, $0x6  }
0x259: {  	v1 =	vmul.f32 v3, v4;
	p2 =	sge.s32 s10, s18;
	s14 =	simm.s32 @!p1 $0x8000  }
0x25a: {  	s14 =	simm.s32 @!p2 $0x8000  }
0x25b: {  	[tilespmem:s14+$0x86B0] =	vst.add.f32.msk $0xffff, v1  }
0x25c: {  	v1 =	vld [tilespmem:s22+$0xFFFFFFF0];
	_ =	sdelay $0x4  }
0x25d: {  	v1 =	vmul.f32 v1, v4;
	_ =	sdelay $0x1  }
0x25e: {  	[tilespmem:s14+$0x86C0] =	vst.add.f32.msk $0xffff, v1  }
0x25f: {  	v1 =	vld [tilespmem:s22+$0x0];
	_ =	sdelay $0x4  }
0x260: {  	v1 =	vmul.f32 v1, v4;
	_ =	sdelay $0x1  }
0x261: {  	[tilespmem:s14+$0x86D0] =	vst.add.f32.msk $0xffff, v1  }
0x262: {  	v2 =	vld [tilespmem:s22+$0x10];
	_ =	sdelay $0x3  }
.Ltmp16:
0x263: {  	(pc) =	sbr.rel @p0 .LBB2_23-.Ltmp16, $3  }
0x264: {  	v1 =	vmov s7;
	v2 =	vmul.f32 v2, v4;
	_ =	sdelay $0x1  }
0x265: {  	s23 =	sadd.s32 $0x1, s23;
	[tilespmem:s14+$0x86E0] =	vst.add.f32.msk $0xffff, v2  }
0x266: {  	s7 =	sadd.s32 $0x1, s7;
	s22 =	sadd.s32 $0x40, s22;
	v2 =	vld [tilespmem:s23+$0x0]  }
0x267: {  	_ =	sdelay $0x3  }
0x268: {  	(v2sf) =	vpush v2, $0x0;
	_ =	sdelay $0xb  }
0x269: {  	v1 =	vld.idx.msk [tilespmem:v1+s28+$0x0], $0xffff  }
0x26a: {  	v2 =	vld [tilespmem:s22+$0xFFFFFFE0];
	_ =	sdelay $0x1  }
0x26b: {  	s7 =	spop (v2sf)  }
0x26c: {  	s10 =	ssub.s32 s7, s18  }
0x26d: {  	p0 =	slt.s32 s7, s21;
	s10 =	sshll.u32 s10, $0x6  }
0x26e: {  	v2 =	vmul.f32 v2, v1;
	p1 =	sge.s32 s7, s18;
	s10 =	simm.s32 @!p0 $0x8000  }
0x26f: {  	s10 =	simm.s32 @!p1 $0x8000  }
0x270: {  	[tilespmem:s10+$0x86B0] =	vst.add.f32.msk $0xffff, v2  }
0x271: {  	v2 =	vld [tilespmem:s22+$0xFFFFFFF0];
	_ =	sdelay $0x4  }
0x272: {  	v2 =	vmul.f32 v2, v1;
	_ =	sdelay $0x1  }
0x273: {  	[tilespmem:s10+$0x86C0] =	vst.add.f32.msk $0xffff, v2  }
0x274: {  	v2 =	vld [tilespmem:s22+$0x0];
	_ =	sdelay $0x4  }
0x275: {  	v2 =	vmul.f32 v2, v1;
	_ =	sdelay $0x1  }
0x276: {  	[tilespmem:s10+$0x86D0] =	vst.add.f32.msk $0xffff, v2  }
0x277: {  	v2 =	vld [tilespmem:s22+$0x10]  }
0x278: {  	s16 =	sadd.s32 $0x1, s16  }
0x279: {  	p0 =	slt.s32 s16, s20  }
.Ltmp17:
0x27a: {  	_ = 	snop;
	(pc) =	sbr.rel @p0 .LBB2_22-.Ltmp17, $4  }
.Ltmp18:
0x27b: {  	_ = 	snop;
	(pc) =	sbr.rel @!p0 .LBB2_25-.Ltmp18, $4  }
0x27c: {  	v1 =	vmul.f32 v2, v1  }
0x27d: {  	_ = 	snop  }
0x27e: {  	[tilespmem:s10+$0x86E0] =	vst.add.f32.msk $0xffff, v1  }
0x27f: {  	_ = 	snop  }
.LBB2_26:
0x280: {  	_ =	sfence.sel $0x180000  }
0x281: {  	[bflag:$0x0] =	sbarrier.arrive $0xFFFF  }
0x282: {  	_ =	strace $0x90000047  }
0x283: {  	s0 =	stileid.u32;
	[bflag:$0x2] =	sbarrier.arrive $0xFFFF  }
0x284: {  	p0 =	sne.s32 s0, $0x0;
	s0 =	rddreg [dreg:$0x5]  }
0x285: {  	s0 =	sadd.s32 @!p0 $0x100000, s0  }
0x286: {  	[sflag:s0] =	ssyncadd.tile.s32 @!p0 $0x1;
	_ =	shalt  }
.Lfunc_end2:
_tile_overlayer_lowered:
.L_overlay_start_2:
0x287: {  	(tag) =	ssettag $0x2  }
0x288: {  	s0 =	rddreg [dreg:$0x0];
	s2 =	stileid.u32  }
0x289: {  	s1 =	rddreg [dreg:$0x1];
	p0 =	sne.s32 s2, $0x0  }
0x28a: {  	s3 =	rddreg [dreg:$0x2];
	[bflag:$0x3] =	sbarrier.arrive $0xFFFF;
	s2 =	simm.s32 @!p0 $0x1C05  }
0x28b: {  	[timem:s3], [sflag:s2] =	dma.local @!p0 [hbm:s0], s1  }
0x28c: {  	s0 =	simm.s32 @!p0 $0x5  }
0x28d: {  	_ =	swait.ge @!p0 [sflag:s0], s1  }
0x28e: {  	s1 =	ssub.s32 @!p0 $0x0, s1;
	[sflag:s0] =	ssyncset.done @!p0 $0x0  }
0x28f: {  	[sflag:s0] =	ssyncadd.s32 @!p0 s1  }
0x290: {  	[bflag:$0x3] =	sbarrier.arrive $0xFFFF  }
0x291: {  	_ =	shalt  }

</sc_bundles>
